<compile_context>
chip_gen: v7x
topology: tpu7x:2x2x1
jax: 0.10.2.dev20260603
libtpu: 0.0.44.dev20260713+nightly
codegen_flags: <defaults>
</compile_context>

<pallas_src>
import dataclasses
import functools

import jax
import jax.numpy as jnp
from jax import lax
from jax.experimental import pallas as pl
from jax.experimental.pallas import tpu as pltpu
from jax.experimental.pallas import tpu_sc as plsc

B = 128
NG = 2
PPG = 20000
D = 3
N = NG * PPG
R = 313
NPAD = R * 128
STD = 0.1
NW = 32
BPW = B // NW
CH = 1600

_f32 = jnp.float32
_i32 = jnp.int32

_cp_sc = pltpu.CompilerParams()
if "needs_layout_passes" in pltpu.CompilerParams.__dataclass_fields__:
    _cp_sc = dataclasses.replace(_cp_sc, needs_layout_passes=False)


def _sum_body(w_ref, rec_ref):
    def chunk(c, S):
        def step(r, acc):
            base = (c * 500 + r) * 8
            acc = acc + w_ref[pl.ds(base, 8), :]
            return acc + w_ref[pl.ds(20000 + base, 8), :]

        acc = lax.fori_loop(0, 500, step, jnp.zeros((8, B), _f32))
        t1 = acc[0:4] + acc[4:8]
        t2 = t1[0:2] + t1[2:4]
        return S + (t2[0:1] + t2[1:2])

    S = lax.fori_loop(0, 5, chunk, jnp.zeros((1, B), _f32))
    rec_ref[...] = _f32(1.0) / S


def _weight_recip(wT):
    return pl.pallas_call(
        _sum_body,
        out_shape=jax.ShapeDtypeStruct((1, B), _f32),
    )(wT)


def _cdf_body(x_ref, rec_ref, o_ref, s384_ref):
    o_ref[...] = x_ref[...] * rec_ref[...].reshape(1, 1, B)

    def scan_step(t, _):
        o_ref[pl.ds(t, 1)] = o_ref[pl.ds(t, 1)] + o_ref[pl.ds(t - 1, 1)]
        return 0

    lax.fori_loop(1, 128, scan_step, 0)

    def q_chain(base, n_r, off2):
        chain0 = o_ref[127, pl.ds(base, 1), :]
        s384_ref[pl.ds(base, 1), :] = chain0 + off2

        def step(r, chain):
            c2 = chain + o_ref[127, pl.ds(r, 1), :]
            s384_ref[pl.ds(r, 1), :] = c2 + off2
            return c2

        return lax.fori_loop(base + 1, base + n_r, step, chain0)

    t20 = q_chain(0, 128, jnp.zeros((1, B), _f32))
    t21 = q_chain(128, 128, t20)
    q_chain(256, R - 256, t20 + t21)

    def add_off(t, _):
        o_ref[pl.ds(t, 1), 1:R, :] = (
            o_ref[pl.ds(t, 1), 1:R, :] + s384_ref[0:R - 1, :]
        )
        return 0

    lax.fori_loop(0, 128, add_off, 0)


def _cdf(Xw, rec):
    return pl.pallas_call(
        _cdf_body,
        out_shape=jax.ShapeDtypeStruct((128, R, B), _f32),
        scratch_shapes=[pltpu.VMEM((R, B), _f32)],
    )(Xw, rec)


def _pos_body(u_ref, o_ref):
    c = _f32(1.0) / _f32(N)
    ii = lax.broadcasted_iota(_i32, (8, N), 1).astype(_f32)
    o_ref[:, :N] = (u_ref[...] + ii) * c
    o_ref[:, N:] = jnp.full((8, NPAD - N), 2.0, _f32)


def _pos(u2):
    return pl.pallas_call(
        _pos_body,
        grid=(B // 8,),
        in_specs=[pl.BlockSpec((8, N), lambda i: (i, 0))],
        out_specs=pl.BlockSpec((8, NPAD), lambda i: (i, 0)),
        out_shape=jax.ShapeDtypeStruct((B, NPAD), _f32),
    )(u2)


def _hist(cdf, posP):
    mesh = plsc.VectorSubcoreMesh(core_axis_name="c", subcore_axis_name="s")

    @functools.partial(
        pl.kernel,
        out_type=jax.ShapeDtypeStruct((B, NPAD), _i32),
        mesh=mesh,
        compiler_params=_cp_sc,
        scratch_types=[
            pltpu.VMEM((NPAD,), _f32),
            pltpu.VMEM((NPAD,), _f32),
            pltpu.VMEM((NPAD,), _i32),
        ],
    )
    def hist_kernel(cdf_hbm, pos_hbm, out_hbm, pbuf, cbuf, hbuf):
        wid = lax.axis_index("s") * 2 + lax.axis_index("c")

        @pl.loop(0, BPW)
        def _batch(bi):
            b = bi * NW + wid
            pltpu.sync_copy(pos_hbm.at[b], pbuf)
            pltpu.sync_copy(cdf_hbm.at[b], cbuf)

            @plsc.parallel_loop(0, NPAD, step=16, unroll=4)
            def _zero(i):
                hbuf[pl.ds(i, 16)] = jnp.zeros((16,), _i32)

            one = jnp.ones((16,), _i32)
            zero = jnp.zeros((16,), _i32)

            @plsc.parallel_loop(0, N, step=16, unroll=4)
            def _scan(j):
                c16 = cbuf[pl.ds(j, 16)]
                k = (c16 * _f32(N)).astype(_i32)
                k = jnp.minimum(k, N - 1)
                km1 = jnp.maximum(k - 1, 0)
                g0 = plsc.load_gather(pbuf, [km1])
                g1 = plsc.load_gather(pbuf, [k])
                g2 = plsc.load_gather(pbuf, [k + 1])
                i0 = jnp.where(k == 0, one,
                               jnp.where(g0 <= c16, one, zero))
                i1 = jnp.where(g1 <= c16, one, zero)
                i2 = jnp.where(g2 <= c16, one, zero)
                m = k - 1 + i0 + i1 + i2
                plsc.addupdate_scatter(hbuf, [m], one)

            pltpu.sync_copy(hbuf, out_hbm.at[b])

    return hist_kernel(cdf, posP)


def _idx_body(h_ref, o_ref):
    x = h_ref[...]
    for dd in (1, 2, 4, 8, 16, 32, 64):
        x = x + jnp.concatenate(
            [jnp.zeros((8, R, dd), _i32), x[:, :, :-dd]], axis=2)
    t = x[:, :, 127]
    for dd in (1, 2, 4, 8, 16, 32, 64, 128, 256):
        t = t + jnp.concatenate(
            [jnp.zeros((8, dd), _i32), t[:, :-dd]], axis=1)
    offe = jnp.concatenate([jnp.zeros((8, 1), _i32), t[:, :-1]], axis=1)
    o_ref[...] = jnp.minimum(x + offe[:, :, None], N - 1)


def _indices(hist3):
    return pl.pallas_call(
        _idx_body,
        grid=(B // 8,),
        in_specs=[pl.BlockSpec((8, R, 128), lambda i: (i, 0, 0))],
        out_specs=pl.BlockSpec((8, R, 128), lambda i: (i, 0, 0)),
        out_shape=jax.ShapeDtypeStruct((B, R, 128), _i32),
    )(hist3)


TROW = 120064
CHG = 2560
NFULL = 15
TAIL = N - NFULL * CHG


def _gather(idx2, part_pad):
    mesh = plsc.VectorSubcoreMesh(core_axis_name="c", subcore_axis_name="s")

    @functools.partial(
        pl.kernel,
        out_type=jax.ShapeDtypeStruct((B, TROW), _f32),
        mesh=mesh,
        compiler_params=_cp_sc,
        scratch_types=[
            pltpu.VMEM((TROW,), _f32),
            pltpu.VMEM((CHG,), _i32),
            pltpu.VMEM((CHG * D,), _f32),
        ],
    )
    def gather_kernel(idx_hbm, part_hbm, out_hbm, tbuf, ibuf, gbuf):
        wid = lax.axis_index("s") * 2 + lax.axis_index("c")
        lane = lax.iota(_i32, 16)

        def do_chunk(b, ioff, nrows, isz, osz):
            pltpu.sync_copy(idx_hbm.at[b].at[pl.ds(ioff, isz)],
                            ibuf.at[pl.ds(0, isz)])

            @plsc.parallel_loop(0, nrows, step=16, unroll=4)
            def _vec(i):
                k16 = ibuf[pl.ds(i, 16)]
                e0 = k16 * 3
                s0 = (lane + i) * 3
                for comp in range(D):
                    g = plsc.load_gather(tbuf, [e0 + comp])
                    plsc.store_scatter(gbuf, [s0 + comp], g)

            pltpu.sync_copy(gbuf.at[pl.ds(0, osz)],
                            out_hbm.at[b].at[pl.ds(ioff * D, osz)])

        @pl.loop(0, BPW)
        def _batch(bi):
            b = bi * NW + wid
            pltpu.sync_copy(part_hbm.at[b], tbuf)

            @pl.loop(0, NFULL)
            def _chunk(c):
                do_chunk(b, pl.multiple_of(c * CHG, 128), CHG, CHG, CHG * D)

            do_chunk(b, NFULL * CHG, TAIL, 1664, 4864)

    return gather_kernel(idx2, part_pad)


def _noise_body(g_ref, n_ref, o_ref):
    o_ref[...] = g_ref[:, :N * D] + _f32(STD) * n_ref[...]


def _add_noise(gpad, n2):
    return pl.pallas_call(
        _noise_body,
        grid=(B // 8,),
        in_specs=[pl.BlockSpec((8, TROW), lambda i: (i, 0)),
                  pl.BlockSpec((8, N * D), lambda i: (i, 0))],
        out_specs=pl.BlockSpec((8, N * D), lambda i: (i, 0)),
        out_shape=jax.ShapeDtypeStruct((B, N * D), _f32),
    )(gpad, n2)


def kernel(particles, weights, u, noise):
    w = weights.reshape(B, N)
    wT = w.T
    rec = _weight_recip(wT)

    wpad = jnp.pad(w, ((0, 0), (0, NPAD - N)))
    Xw = wpad.reshape(B, R, 128).transpose(2, 1, 0)
    cdfX = _cdf(Xw, rec)
    cdf = cdfX.transpose(2, 1, 0).reshape(B, NPAD)

    posP = _pos(u.reshape(B, N))
    hist = _hist(cdf, posP)
    idx = _indices(hist.reshape(B, R, 128))
    idx2 = idx.reshape(B, NPAD)

    part2 = particles.reshape(B, N * D)
    part_pad = jnp.pad(part2, ((0, 0), (0, TROW - N * D)))

    gpad = _gather(idx2, part_pad)
    out = _add_noise(gpad, noise.reshape(B, N * D))
    return out.reshape(B, NG, PPG, D)

# --- scband reference (transcript-rebuilt; emitter-appended) ---
"""Pipeline reference for scband-dnbp-82446192214799 (READ-ONLY COPY).

The authoritative reference and input builder live on the scoring server;
editing this copy changes nothing except your own understanding.
"""

import jax, jax.numpy as jnp
import numpy as np

STD = 0.1  # diffusion std from init_kwargs

def setup_inputs(seed: int = 0) -> dict:
    key = jax.random.key(seed)
    k1, k2, k3, k4 = jax.random.split(key, 4)
    B, NG, P, D = 128, 2, 20000, 3
    particles = jax.random.normal(k1, (B, NG, P, D), dtype=jnp.float32)
    weights = jax.random.uniform(k2, (B, NG, P), dtype=jnp.float32) + 1e-6
    u = jax.random.uniform(k3, (B, NG, P), dtype=jnp.float32)
    noise = jax.random.normal(k4, (B, NG, P, D), dtype=jnp.float32)
    return {"particles": particles, "weights": weights, "u": u, "noise": noise}

def reference(particles, weights, u, noise):
    # DNBP low-variance (stratified) particle resampling + Gaussian diffusion.
    # This is the core sampling step DNBP performs per node per BP iteration:
    # normalize belief weights over the (neighbor, particle) axes, build a CDF,
    # draw stratified uniform positions, invert the CDF via searchsorted,
    # gather the selected particles, then diffuse with Gaussian noise (std).
    B, NG, P, D = particles.shape
    N = NG * P
    w = weights.reshape(B, N)
    w = w / jnp.sum(w, axis=1, keepdims=True)
    cdf = jnp.cumsum(w, axis=1)
    # stratified positions: one uniform jitter per output slot
    pos = (u.reshape(B, N) + jnp.arange(N, dtype=particles.dtype)[None, :]) / N
    idx = jax.vmap(lambda c, p: jnp.searchsorted(c, p))(cdf, pos)
    idx = jnp.clip(idx, 0, N - 1)
    idx = jax.lax.stop_gradient(idx)
    flat = particles.reshape(B, N, D)
    resampled = jnp.take_along_axis(flat, idx[:, :, None], axis=1)
    resampled = resampled.reshape(B, NG, P, D) + STD * noise
    return resampled

if __name__ == "__main__":
    import jax
    _d = setup_inputs()
    print(jax.jit(kernel)(*tuple(_d.values())))

</pallas_src>

<mosaic_0001>
#map = affine_map<(d0, d1) -> (0, 0)>
module attributes {stable_mosaic.version = 14 : i64} {
  func.func @gather_kernel(%arg0: i32, %arg1: i32, %arg2: memref<128x40064xi32, #tpu.memory_space<hbm>>, %arg3: memref<128x120064xf32, #tpu.memory_space<hbm>>, %arg4: memref<128x120064xf32, #tpu.memory_space<hbm>>, %arg5: memref<120064xf32, #tpu.memory_space<vmem>>, %arg6: memref<2560xi32, #tpu.memory_space<vmem>>, %arg7: memref<7680xf32, #tpu.memory_space<vmem>>) attributes {dimension_semantics = [#tpu.dimension_semantics<core_parallel>, #tpu.dimension_semantics<subcore_parallel>], iteration_bounds = array<i64: 2, 16>, scalar_prefetch = 0 : i64, scratch_operands = 3 : i64, tpu.core_type = #tpu.core_type<sc_vector_subcore>, window_params = [{transform_indices = #map}, {transform_indices = #map}, {transform_indices = #map}]} {
    %mul3A = arith.constant 2 : i32
    %mul3A_0 = arith.muli %arg1, %mul3A : i32
    %add3A = arith.addi %mul3A_0, %arg0 : i32
    %iota3A = tpu.iota {dimensions = array<i32: 0>} : vector<16xi32>
    %scan3A = arith.constant 0 : i32
    %scan3A_1 = arith.constant 4 : i32
    %scan3A_2 = arith.addi %scan3A, %scan3A_1 : i32
    %scan3A_3 = arith.constant 1 : i32
    scf.for %scan3A_5 = %scan3A to %scan3A_2 step %scan3A_3  : i32 {
      %mul3A_6 = arith.constant 1 : i32
      %mul3A_7 = arith.muli %scan3A_5, %mul3A_6 : i32
      %add3A_8 = arith.constant 0 : i32
      %add3A_9 = arith.addi %add3A_8, %mul3A_7 : i32
      %mul3A_10 = arith.constant 32 : i32
      %mul3A_11 = arith.muli %add3A_9, %mul3A_10 : i32
      %add3A_12 = arith.addi %mul3A_11, %add3A : i32
      "tpu.region"() ({
        %run_scoped3A = tpu.sem_alloc : memref<!tpu.dma_semaphore, #tpu.memory_space<semaphore_mem>>
        %dma_start3A = arith.constant 0 : i32
        %dma_start3A_20 = tpu.memref_slice %arg3[%add3A_12, %dma_start3A] : memref<128x120064xf32, #tpu.memory_space<hbm>> -> memref<1x120064xf32, #tpu.memory_space<hbm>>
        %dma_start3A_21 = tpu.memref_squeeze %dma_start3A_20 : memref<1x120064xf32, #tpu.memory_space<hbm>> -> memref<120064xf32, #tpu.memory_space<hbm>>
        %dma_start3A_22 = arith.constant 0 : i32
        %dma_start3A_23 = tpu.memref_slice %arg3[%add3A_12, %dma_start3A_22] : memref<128x120064xf32, #tpu.memory_space<hbm>> -> memref<1x120064xf32, #tpu.memory_space<hbm>>
        %dma_start3A_24 = tpu.memref_squeeze %dma_start3A_23 : memref<1x120064xf32, #tpu.memory_space<hbm>> -> memref<120064xf32, #tpu.memory_space<hbm>>
        tpu.enqueue_dma source(%dma_start3A_24 : memref<120064xf32, #tpu.memory_space<hbm>>) target(%arg5 : memref<120064xf32, #tpu.memory_space<vmem>>) target_semaphore(%run_scoped3A : memref<!tpu.dma_semaphore, #tpu.memory_space<semaphore_mem>>)
        %dma_wait3A = arith.constant 0 : i32
        %dma_wait3A_25 = tpu.memref_slice %arg3[%add3A_12, %dma_wait3A] : memref<128x120064xf32, #tpu.memory_space<hbm>> -> memref<1x120064xf32, #tpu.memory_space<hbm>>
        %dma_wait3A_26 = tpu.memref_squeeze %dma_wait3A_25 : memref<1x120064xf32, #tpu.memory_space<hbm>> -> memref<120064xf32, #tpu.memory_space<hbm>>
        %dma_wait3A_27 = arith.constant 0 : i32
        %dma_wait3A_28 = tpu.memref_slice %arg3[%add3A_12, %dma_wait3A_27] : memref<128x120064xf32, #tpu.memory_space<hbm>> -> memref<1x120064xf32, #tpu.memory_space<hbm>>
        %dma_wait3A_29 = tpu.memref_squeeze %dma_wait3A_28 : memref<1x120064xf32, #tpu.memory_space<hbm>> -> memref<120064xf32, #tpu.memory_space<hbm>>
        tpu.wait_dma2 semaphore(%run_scoped3A : memref<!tpu.dma_semaphore, #tpu.memory_space<semaphore_mem>>) src(%dma_wait3A_29 : memref<120064xf32, #tpu.memory_space<hbm>>) dst(%arg5 : memref<120064xf32, #tpu.memory_space<vmem>>)
        tpu.yield
      }) : () -> ()
      %scan3A_13 = arith.constant 0 : i32
      %scan3A_14 = arith.constant 15 : i32
      %scan3A_15 = arith.addi %scan3A_13, %scan3A_14 : i32
      %scan3A_16 = arith.constant 1 : i32
      scf.for %scan3A_20 = %scan3A_13 to %scan3A_15 step %scan3A_16  : i32 {
        %mul3A_21 = arith.constant 1 : i32
        %mul3A_22 = arith.muli %scan3A_20, %mul3A_21 : i32
        %add3A_23 = arith.constant 0 : i32
        %add3A_24 = arith.addi %add3A_23, %mul3A_22 : i32
        %mul3A_25 = arith.constant 2560 : i32
        %mul3A_26 = arith.muli %add3A_24, %mul3A_25 : i32
        %multiple_of3A = tpu.assume_multiple %mul3A_26, 128 : i32
        "tpu.region"() ({
          %run_scoped3A = tpu.sem_alloc : memref<!tpu.dma_semaphore, #tpu.memory_space<semaphore_mem>>
          %dma_start3A = arith.constant 0 : i32
          %dma_start3A_32 = tpu.memref_slice %arg6[%dma_start3A] : memref<2560xi32, #tpu.memory_space<vmem>> -> memref<2560xi32, #tpu.memory_space<vmem>>
          %dma_start3A_33 = arith.constant 0 : i32
          %dma_start3A_34 = tpu.memref_slice %arg2[%add3A_12, %dma_start3A_33] : memref<128x40064xi32, #tpu.memory_space<hbm>> -> memref<1x40064xi32, #tpu.memory_space<hbm>>
          %dma_start3A_35 = tpu.memref_squeeze %dma_start3A_34 : memref<1x40064xi32, #tpu.memory_space<hbm>> -> memref<40064xi32, #tpu.memory_space<hbm>>
          %dma_start3A_36 = tpu.memref_slice %dma_start3A_35[%multiple_of3A] : memref<40064xi32, #tpu.memory_space<hbm>> -> memref<2560xi32, #tpu.memory_space<hbm>>
          %dma_start3A_37 = arith.constant 0 : i32
          %dma_start3A_38 = tpu.memref_slice %arg6[%dma_start3A_37] : memref<2560xi32, #tpu.memory_space<vmem>> -> memref<2560xi32, #tpu.memory_space<vmem>>
          %dma_start3A_39 = arith.constant 0 : i32
          %dma_start3A_40 = tpu.memref_slice %arg2[%add3A_12, %dma_start3A_39] : memref<128x40064xi32, #tpu.memory_space<hbm>> -> memref<1x40064xi32, #tpu.memory_space<hbm>>
          %dma_start3A_41 = tpu.memref_squeeze %dma_start3A_40 : memref<1x40064xi32, #tpu.memory_space<hbm>> -> memref<40064xi32, #tpu.memory_space<hbm>>
          %dma_start3A_42 = tpu.memref_slice %dma_start3A_41[%multiple_of3A] : memref<40064xi32, #tpu.memory_space<hbm>> -> memref<2560xi32, #tpu.memory_space<hbm>>
          tpu.enqueue_dma source(%dma_start3A_42 : memref<2560xi32, #tpu.memory_space<hbm>>) target(%dma_start3A_38 : memref<2560xi32, #tpu.memory_space<vmem>>) target_semaphore(%run_scoped3A : memref<!tpu.dma_semaphore, #tpu.memory_space<semaphore_mem>>)
          %dma_wait3A = arith.constant 0 : i32
          %dma_wait3A_43 = tpu.memref_slice %arg6[%dma_wait3A] : memref<2560xi32, #tpu.memory_space<vmem>> -> memref<2560xi32, #tpu.memory_space<vmem>>
          %dma_wait3A_44 = arith.constant 0 : i32
          %dma_wait3A_45 = tpu.memref_slice %arg2[%add3A_12, %dma_wait3A_44] : memref<128x40064xi32, #tpu.memory_space<hbm>> -> memref<1x40064xi32, #tpu.memory_space<hbm>>
          %dma_wait3A_46 = tpu.memref_squeeze %dma_wait3A_45 : memref<1x40064xi32, #tpu.memory_space<hbm>> -> memref<40064xi32, #tpu.memory_space<hbm>>
          %dma_wait3A_47 = tpu.memref_slice %dma_wait3A_46[%multiple_of3A] : memref<40064xi32, #tpu.memory_space<hbm>> -> memref<2560xi32, #tpu.memory_space<hbm>>
          %dma_wait3A_48 = arith.constant 0 : i32
          %dma_wait3A_49 = tpu.memref_slice %arg6[%dma_wait3A_48] : memref<2560xi32, #tpu.memory_space<vmem>> -> memref<2560xi32, #tpu.memory_space<vmem>>
          %dma_wait3A_50 = arith.constant 0 : i32
          %dma_wait3A_51 = tpu.memref_slice %arg2[%add3A_12, %dma_wait3A_50] : memref<128x40064xi32, #tpu.memory_space<hbm>> -> memref<1x40064xi32, #tpu.memory_space<hbm>>
          %dma_wait3A_52 = tpu.memref_squeeze %dma_wait3A_51 : memref<1x40064xi32, #tpu.memory_space<hbm>> -> memref<40064xi32, #tpu.memory_space<hbm>>
          %dma_wait3A_53 = tpu.memref_slice %dma_wait3A_52[%multiple_of3A] : memref<40064xi32, #tpu.memory_space<hbm>> -> memref<2560xi32, #tpu.memory_space<hbm>>
          tpu.wait_dma2 semaphore(%run_scoped3A : memref<!tpu.dma_semaphore, #tpu.memory_space<semaphore_mem>>) src(%dma_wait3A_53 : memref<2560xi32, #tpu.memory_space<hbm>>) dst(%dma_wait3A_49 : memref<2560xi32, #tpu.memory_space<vmem>>)
          tpu.yield
        }) : () -> ()
        %parallel_loop3A_27 = arith.constant 0 : i32
        %parallel_loop3A_28 = arith.constant 2560 : i32
        %parallel_loop3A_29 = arith.constant 16 : i32
        scf.for %parallel_loop3A_32 = %parallel_loop3A_27 to %parallel_loop3A_28 step %parallel_loop3A_29  : i32 {
          %parallel_loop3A_33 = arith.index_cast %parallel_loop3A_32 : i32 to index
          %parallel_loop3A_34 = tpu.vector_load %arg6[%parallel_loop3A_33] {strides = array<i32>} : memref<2560xi32, #tpu.memory_space<vmem>>, vector<16xi32>,
          %parallel_loop3A_35 = arith.constant 3 : i32
          %parallel_loop3A_36 = vector.broadcast %parallel_loop3A_35 : i32 to vector<16xi32>
          %parallel_loop3A_37 = arith.muli %parallel_loop3A_34, %parallel_loop3A_36 : vector<16xi32>
          %parallel_loop3A_38 = vector.broadcast %parallel_loop3A_32 : i32 to vector<16xi32>
          %parallel_loop3A_39 = arith.addi %iota3A, %parallel_loop3A_38 : vector<16xi32>
          %parallel_loop3A_40 = arith.constant 3 : i32
          %parallel_loop3A_41 = vector.broadcast %parallel_loop3A_40 : i32 to vector<16xi32>
          %parallel_loop3A_42 = arith.muli %parallel_loop3A_39, %parallel_loop3A_41 : vector<16xi32>
          %parallel_loop3A_43 = arith.constant 0 : i32
          %parallel_loop3A_44 = vector.broadcast %parallel_loop3A_43 : i32 to vector<16xi32>
          %parallel_loop3A_45 = arith.addi %parallel_loop3A_37, %parallel_loop3A_44 : vector<16xi32>
          %parallel_loop3A_46 = tpu.vector_load_idx %arg5[%parallel_loop3A_45] : memref<120064xf32, #tpu.memory_space<vmem>>[vector<16xi32>], vector<16xf32>,
          %parallel_loop3A_47 = arith.constant 0 : i32
          %parallel_loop3A_48 = vector.broadcast %parallel_loop3A_47 : i32 to vector<16xi32>
          %parallel_loop3A_49 = arith.addi %parallel_loop3A_42, %parallel_loop3A_48 : vector<16xi32>
          tpu.vector_store_idx %arg7[%parallel_loop3A_49], %parallel_loop3A_46 : memref<7680xf32, #tpu.memory_space<vmem>>[vector<16xi32>], vector<16xf32>,
          %parallel_loop3A_50 = arith.constant 1 : i32
          %parallel_loop3A_51 = vector.broadcast %parallel_loop3A_50 : i32 to vector<16xi32>
          %parallel_loop3A_52 = arith.addi %parallel_loop3A_37, %parallel_loop3A_51 : vector<16xi32>
          %parallel_loop3A_53 = tpu.vector_load_idx %arg5[%parallel_loop3A_52] : memref<120064xf32, #tpu.memory_space<vmem>>[vector<16xi32>], vector<16xf32>,
          %parallel_loop3A_54 = arith.constant 1 : i32
          %parallel_loop3A_55 = vector.broadcast %parallel_loop3A_54 : i32 to vector<16xi32>
          %parallel_loop3A_56 = arith.addi %parallel_loop3A_42, %parallel_loop3A_55 : vector<16xi32>
          tpu.vector_store_idx %arg7[%parallel_loop3A_56], %parallel_loop3A_53 : memref<7680xf32, #tpu.memory_space<vmem>>[vector<16xi32>], vector<16xf32>,
          %parallel_loop3A_57 = arith.constant 2 : i32
          %parallel_loop3A_58 = vector.broadcast %parallel_loop3A_57 : i32 to vector<16xi32>
          %parallel_loop3A_59 = arith.addi %parallel_loop3A_37, %parallel_loop3A_58 : vector<16xi32>
          %parallel_loop3A_60 = tpu.vector_load_idx %arg5[%parallel_loop3A_59] : memref<120064xf32, #tpu.memory_space<vmem>>[vector<16xi32>], vector<16xf32>,
          %parallel_loop3A_61 = arith.constant 2 : i32
          %parallel_loop3A_62 = vector.broadcast %parallel_loop3A_61 : i32 to vector<16xi32>
          %parallel_loop3A_63 = arith.addi %parallel_loop3A_42, %parallel_loop3A_62 : vector<16xi32>
          tpu.vector_store_idx %arg7[%parallel_loop3A_63], %parallel_loop3A_60 : memref<7680xf32, #tpu.memory_space<vmem>>[vector<16xi32>], vector<16xf32>,
        } {sc.loop_unroll_factor = 4 : i64, sc.parallel_access}
        %mul3A_30 = arith.constant 3 : i32
        %mul3A_31 = arith.muli %multiple_of3A, %mul3A_30 : i32
        "tpu.region"() ({
          %run_scoped3A = tpu.sem_alloc : memref<!tpu.dma_semaphore, #tpu.memory_space<semaphore_mem>>
          %dma_start3A = arith.constant 0 : i32
          %dma_start3A_32 = tpu.memref_slice %arg7[%dma_start3A] : memref<7680xf32, #tpu.memory_space<vmem>> -> memref<7680xf32, #tpu.memory_space<vmem>>
          %dma_start3A_33 = arith.constant 0 : i32
          %dma_start3A_34 = tpu.memref_slice %arg4[%add3A_12, %dma_start3A_33] : memref<128x120064xf32, #tpu.memory_space<hbm>> -> memref<1x120064xf32, #tpu.memory_space<hbm>>
          %dma_start3A_35 = tpu.memref_squeeze %dma_start3A_34 : memref<1x120064xf32, #tpu.memory_space<hbm>> -> memref<120064xf32, #tpu.memory_space<hbm>>
          %dma_start3A_36 = tpu.memref_slice %dma_start3A_35[%mul3A_31] : memref<120064xf32, #tpu.memory_space<hbm>> -> memref<7680xf32, #tpu.memory_space<hbm>>
          %dma_start3A_37 = arith.constant 0 : i32
          %dma_start3A_38 = tpu.memref_slice %arg4[%add3A_12, %dma_start3A_37] : memref<128x120064xf32, #tpu.memory_space<hbm>> -> memref<1x120064xf32, #tpu.memory_space<hbm>>
          %dma_start3A_39 = tpu.memref_squeeze %dma_start3A_38 : memref<1x120064xf32, #tpu.memory_space<hbm>> -> memref<120064xf32, #tpu.memory_space<hbm>>
          %dma_start3A_40 = tpu.memref_slice %dma_start3A_39[%mul3A_31] : memref<120064xf32, #tpu.memory_space<hbm>> -> memref<7680xf32, #tpu.memory_space<hbm>>
          %dma_start3A_41 = arith.constant 0 : i32
          %dma_start3A_42 = tpu.memref_slice %arg7[%dma_start3A_41] : memref<7680xf32, #tpu.memory_space<vmem>> -> memref<7680xf32, #tpu.memory_space<vmem>>
          tpu.enqueue_dma source(%dma_start3A_42 : memref<7680xf32, #tpu.memory_space<vmem>>) target(%dma_start3A_40 : memref<7680xf32, #tpu.memory_space<hbm>>) target_semaphore(%run_scoped3A : memref<!tpu.dma_semaphore, #tpu.memory_space<semaphore_mem>>)
          %dma_wait3A = arith.constant 0 : i32
          %dma_wait3A_43 = tpu.memref_slice %arg7[%dma_wait3A] : memref<7680xf32, #tpu.memory_space<vmem>> -> memref<7680xf32, #tpu.memory_space<vmem>>
          %dma_wait3A_44 = arith.constant 0 : i32
          %dma_wait3A_45 = tpu.memref_slice %arg4[%add3A_12, %dma_wait3A_44] : memref<128x120064xf32, #tpu.memory_space<hbm>> -> memref<1x120064xf32, #tpu.memory_space<hbm>>
          %dma_wait3A_46 = tpu.memref_squeeze %dma_wait3A_45 : memref<1x120064xf32, #tpu.memory_space<hbm>> -> memref<120064xf32, #tpu.memory_space<hbm>>
          %dma_wait3A_47 = tpu.memref_slice %dma_wait3A_46[%mul3A_31] : memref<120064xf32, #tpu.memory_space<hbm>> -> memref<7680xf32, #tpu.memory_space<hbm>>
          %dma_wait3A_48 = arith.constant 0 : i32
          %dma_wait3A_49 = tpu.memref_slice %arg4[%add3A_12, %dma_wait3A_48] : memref<128x120064xf32, #tpu.memory_space<hbm>> -> memref<1x120064xf32, #tpu.memory_space<hbm>>
          %dma_wait3A_50 = tpu.memref_squeeze %dma_wait3A_49 : memref<1x120064xf32, #tpu.memory_space<hbm>> -> memref<120064xf32, #tpu.memory_space<hbm>>
          %dma_wait3A_51 = tpu.memref_slice %dma_wait3A_50[%mul3A_31] : memref<120064xf32, #tpu.memory_space<hbm>> -> memref<7680xf32, #tpu.memory_space<hbm>>
          %dma_wait3A_52 = arith.constant 0 : i32
          %dma_wait3A_53 = tpu.memref_slice %arg7[%dma_wait3A_52] : memref<7680xf32, #tpu.memory_space<vmem>> -> memref<7680xf32, #tpu.memory_space<vmem>>
          tpu.wait_dma2 semaphore(%run_scoped3A : memref<!tpu.dma_semaphore, #tpu.memory_space<semaphore_mem>>) src(%dma_wait3A_53 : memref<7680xf32, #tpu.memory_space<vmem>>) dst(%dma_wait3A_51 : memref<7680xf32, #tpu.memory_space<hbm>>)
          tpu.yield
        }) : () -> ()
      }
      %scan3A_17 = arith.constant 15 : i32
      "tpu.region"() ({
        %run_scoped3A = tpu.sem_alloc : memref<!tpu.dma_semaphore, #tpu.memory_space<semaphore_mem>>
        %dma_start3A = arith.constant 0 : i32
        %dma_start3A_20 = tpu.memref_slice %arg6[%dma_start3A] : memref<2560xi32, #tpu.memory_space<vmem>> -> memref<1664xi32, #tpu.memory_space<vmem>>
        %dma_start3A_21 = arith.constant 0 : i32
        %dma_start3A_22 = tpu.memref_slice %arg2[%add3A_12, %dma_start3A_21] : memref<128x40064xi32, #tpu.memory_space<hbm>> -> memref<1x40064xi32, #tpu.memory_space<hbm>>
        %dma_start3A_23 = tpu.memref_squeeze %dma_start3A_22 : memref<1x40064xi32, #tpu.memory_space<hbm>> -> memref<40064xi32, #tpu.memory_space<hbm>>
        %dma_start3A_24 = arith.constant 38400 : i32
        %dma_start3A_25 = tpu.memref_slice %dma_start3A_23[%dma_start3A_24] : memref<40064xi32, #tpu.memory_space<hbm>> -> memref<1664xi32, #tpu.memory_space<hbm>>
        %dma_start3A_26 = arith.constant 0 : i32
        %dma_start3A_27 = tpu.memref_slice %arg6[%dma_start3A_26] : memref<2560xi32, #tpu.memory_space<vmem>> -> memref<1664xi32, #tpu.memory_space<vmem>>
        %dma_start3A_28 = arith.constant 0 : i32
        %dma_start3A_29 = tpu.memref_slice %arg2[%add3A_12, %dma_start3A_28] : memref<128x40064xi32, #tpu.memory_space<hbm>> -> memref<1x40064xi32, #tpu.memory_space<hbm>>
        %dma_start3A_30 = tpu.memref_squeeze %dma_start3A_29 : memref<1x40064xi32, #tpu.memory_space<hbm>> -> memref<40064xi32, #tpu.memory_space<hbm>>
        %dma_start3A_31 = arith.constant 38400 : i32
        %dma_start3A_32 = tpu.memref_slice %dma_start3A_30[%dma_start3A_31] : memref<40064xi32, #tpu.memory_space<hbm>> -> memref<1664xi32, #tpu.memory_space<hbm>>
        tpu.enqueue_dma source(%dma_start3A_32 : memref<1664xi32, #tpu.memory_space<hbm>>) target(%dma_start3A_27 : memref<1664xi32, #tpu.memory_space<vmem>>) target_semaphore(%run_scoped3A : memref<!tpu.dma_semaphore, #tpu.memory_space<semaphore_mem>>)
        %dma_wait3A = arith.constant 0 : i32
        %dma_wait3A_33 = tpu.memref_slice %arg6[%dma_wait3A] : memref<2560xi32, #tpu.memory_space<vmem>> -> memref<1664xi32, #tpu.memory_space<vmem>>
        %dma_wait3A_34 = arith.constant 0 : i32
        %dma_wait3A_35 = tpu.memref_slice %arg2[%add3A_12, %dma_wait3A_34] : memref<128x40064xi32, #tpu.memory_space<hbm>> -> memref<1x40064xi32, #tpu.memory_space<hbm>>
        %dma_wait3A_36 = tpu.memref_squeeze %dma_wait3A_35 : memref<1x40064xi32, #tpu.memory_space<hbm>> -> memref<40064xi32, #tpu.memory_space<hbm>>
        %dma_wait3A_37 = arith.constant 38400 : i32
        %dma_wait3A_38 = tpu.memref_slice %dma_wait3A_36[%dma_wait3A_37] : memref<40064xi32, #tpu.memory_space<hbm>> -> memref<1664xi32, #tpu.memory_space<hbm>>
        %dma_wait3A_39 = arith.constant 0 : i32
        %dma_wait3A_40 = tpu.memref_slice %arg6[%dma_wait3A_39] : memref<2560xi32, #tpu.memory_space<vmem>> -> memref<1664xi32, #tpu.memory_space<vmem>>
        %dma_wait3A_41 = arith.constant 0 : i32
        %dma_wait3A_42 = tpu.memref_slice %arg2[%add3A_12, %dma_wait3A_41] : memref<128x40064xi32, #tpu.memory_space<hbm>> -> memref<1x40064xi32, #tpu.memory_space<hbm>>
        %dma_wait3A_43 = tpu.memref_squeeze %dma_wait3A_42 : memref<1x40064xi32, #tpu.memory_space<hbm>> -> memref<40064xi32, #tpu.memory_space<hbm>>
        %dma_wait3A_44 = arith.constant 38400 : i32
        %dma_wait3A_45 = tpu.memref_slice %dma_wait3A_43[%dma_wait3A_44] : memref<40064xi32, #tpu.memory_space<hbm>> -> memref<1664xi32, #tpu.memory_space<hbm>>
        tpu.wait_dma2 semaphore(%run_scoped3A : memref<!tpu.dma_semaphore, #tpu.memory_space<semaphore_mem>>) src(%dma_wait3A_45 : memref<1664xi32, #tpu.memory_space<hbm>>) dst(%dma_wait3A_40 : memref<1664xi32, #tpu.memory_space<vmem>>)
        tpu.yield
      }) : () -> ()
      %parallel_loop3A = arith.constant 0 : i32
      %parallel_loop3A_18 = arith.constant 1600 : i32
      %parallel_loop3A_19 = arith.constant 16 : i32
      scf.for %parallel_loop3A_20 = %parallel_loop3A to %parallel_loop3A_18 step %parallel_loop3A_19  : i32 {
        %parallel_loop3A_21 = arith.index_cast %parallel_loop3A_20 : i32 to index
        %parallel_loop3A_22 = tpu.vector_load %arg6[%parallel_loop3A_21] {strides = array<i32>} : memref<2560xi32, #tpu.memory_space<vmem>>, vector<16xi32>,
        %parallel_loop3A_23 = arith.constant 3 : i32
        %parallel_loop3A_24 = vector.broadcast %parallel_loop3A_23 : i32 to vector<16xi32>
        %parallel_loop3A_25 = arith.muli %parallel_loop3A_22, %parallel_loop3A_24 : vector<16xi32>
        %parallel_loop3A_26 = vector.broadcast %parallel_loop3A_20 : i32 to vector<16xi32>
        %parallel_loop3A_27 = arith.addi %iota3A, %parallel_loop3A_26 : vector<16xi32>
        %parallel_loop3A_28 = arith.constant 3 : i32
        %parallel_loop3A_29 = vector.broadcast %parallel_loop3A_28 : i32 to vector<16xi32>
        %parallel_loop3A_30 = arith.muli %parallel_loop3A_27, %parallel_loop3A_29 : vector<16xi32>
        %parallel_loop3A_31 = arith.constant 0 : i32
        %parallel_loop3A_32 = vector.broadcast %parallel_loop3A_31 : i32 to vector<16xi32>
        %parallel_loop3A_33 = arith.addi %parallel_loop3A_25, %parallel_loop3A_32 : vector<16xi32>
        %parallel_loop3A_34 = tpu.vector_load_idx %arg5[%parallel_loop3A_33] : memref<120064xf32, #tpu.memory_space<vmem>>[vector<16xi32>], vector<16xf32>,
        %parallel_loop3A_35 = arith.constant 0 : i32
        %parallel_loop3A_36 = vector.broadcast %parallel_loop3A_35 : i32 to vector<16xi32>
        %parallel_loop3A_37 = arith.addi %parallel_loop3A_30, %parallel_loop3A_36 : vector<16xi32>
        tpu.vector_store_idx %arg7[%parallel_loop3A_37], %parallel_loop3A_34 : memref<7680xf32, #tpu.memory_space<vmem>>[vector<16xi32>], vector<16xf32>,
        %parallel_loop3A_38 = arith.constant 1 : i32
        %parallel_loop3A_39 = vector.broadcast %parallel_loop3A_38 : i32 to vector<16xi32>
        %parallel_loop3A_40 = arith.addi %parallel_loop3A_25, %parallel_loop3A_39 : vector<16xi32>
        %parallel_loop3A_41 = tpu.vector_load_idx %arg5[%parallel_loop3A_40] : memref<120064xf32, #tpu.memory_space<vmem>>[vector<16xi32>], vector<16xf32>,
        %parallel_loop3A_42 = arith.constant 1 : i32
        %parallel_loop3A_43 = vector.broadcast %parallel_loop3A_42 : i32 to vector<16xi32>
        %parallel_loop3A_44 = arith.addi %parallel_loop3A_30, %parallel_loop3A_43 : vector<16xi32>
        tpu.vector_store_idx %arg7[%parallel_loop3A_44], %parallel_loop3A_41 : memref<7680xf32, #tpu.memory_space<vmem>>[vector<16xi32>], vector<16xf32>,
        %parallel_loop3A_45 = arith.constant 2 : i32
        %parallel_loop3A_46 = vector.broadcast %parallel_loop3A_45 : i32 to vector<16xi32>
        %parallel_loop3A_47 = arith.addi %parallel_loop3A_25, %parallel_loop3A_46 : vector<16xi32>
        %parallel_loop3A_48 = tpu.vector_load_idx %arg5[%parallel_loop3A_47] : memref<120064xf32, #tpu.memory_space<vmem>>[vector<16xi32>], vector<16xf32>,
        %parallel_loop3A_49 = arith.constant 2 : i32
        %parallel_loop3A_50 = vector.broadcast %parallel_loop3A_49 : i32 to vector<16xi32>
        %parallel_loop3A_51 = arith.addi %parallel_loop3A_30, %parallel_loop3A_50 : vector<16xi32>
        tpu.vector_store_idx %arg7[%parallel_loop3A_51], %parallel_loop3A_48 : memref<7680xf32, #tpu.memory_space<vmem>>[vector<16xi32>], vector<16xf32>,
      } {sc.loop_unroll_factor = 4 : i64, sc.parallel_access}
      "tpu.region"() ({
        %run_scoped3A = tpu.sem_alloc : memref<!tpu.dma_semaphore, #tpu.memory_space<semaphore_mem>>
        %dma_start3A = arith.constant 0 : i32
        %dma_start3A_20 = tpu.memref_slice %arg7[%dma_start3A] : memref<7680xf32, #tpu.memory_space<vmem>> -> memref<4864xf32, #tpu.memory_space<vmem>>
        %dma_start3A_21 = arith.constant 0 : i32
        %dma_start3A_22 = tpu.memref_slice %arg4[%add3A_12, %dma_start3A_21] : memref<128x120064xf32, #tpu.memory_space<hbm>> -> memref<1x120064xf32, #tpu.memory_space<hbm>>
        %dma_start3A_23 = tpu.memref_squeeze %dma_start3A_22 : memref<1x120064xf32, #tpu.memory_space<hbm>> -> memref<120064xf32, #tpu.memory_space<hbm>>
        %dma_start3A_24 = arith.constant 115200 : i32
        %dma_start3A_25 = tpu.memref_slice %dma_start3A_23[%dma_start3A_24] : memref<120064xf32, #tpu.memory_space<hbm>> -> memref<4864xf32, #tpu.memory_space<hbm>>
        %dma_start3A_26 = arith.constant 0 : i32
        %dma_start3A_27 = tpu.memref_slice %arg4[%add3A_12, %dma_start3A_26] : memref<128x120064xf32, #tpu.memory_space<hbm>> -> memref<1x120064xf32, #tpu.memory_space<hbm>>
        %dma_start3A_28 = tpu.memref_squeeze %dma_start3A_27 : memref<1x120064xf32, #tpu.memory_space<hbm>> -> memref<120064xf32, #tpu.memory_space<hbm>>
        %dma_start3A_29 = arith.constant 115200 : i32
        %dma_start3A_30 = tpu.memref_slice %dma_start3A_28[%dma_start3A_29] : memref<120064xf32, #tpu.memory_space<hbm>> -> memref<4864xf32, #tpu.memory_space<hbm>>
        %dma_start3A_31 = arith.constant 0 : i32
        %dma_start3A_32 = tpu.memref_slice %arg7[%dma_start3A_31] : memref<7680xf32, #tpu.memory_space<vmem>> -> memref<4864xf32, #tpu.memory_space<vmem>>
        tpu.enqueue_dma source(%dma_start3A_32 : memref<4864xf32, #tpu.memory_space<vmem>>) target(%dma_start3A_30 : memref<4864xf32, #tpu.memory_space<hbm>>) target_semaphore(%run_scoped3A : memref<!tpu.dma_semaphore, #tpu.memory_space<semaphore_mem>>)
        %dma_wait3A = arith.constant 0 : i32
        %dma_wait3A_33 = tpu.memref_slice %arg7[%dma_wait3A] : memref<7680xf32, #tpu.memory_space<vmem>> -> memref<4864xf32, #tpu.memory_space<vmem>>
        %dma_wait3A_34 = arith.constant 0 : i32
        %dma_wait3A_35 = tpu.memref_slice %arg4[%add3A_12, %dma_wait3A_34] : memref<128x120064xf32, #tpu.memory_space<hbm>> -> memref<1x120064xf32, #tpu.memory_space<hbm>>
        %dma_wait3A_36 = tpu.memref_squeeze %dma_wait3A_35 : memref<1x120064xf32, #tpu.memory_space<hbm>> -> memref<120064xf32, #tpu.memory_space<hbm>>
        %dma_wait3A_37 = arith.constant 115200 : i32
        %dma_wait3A_38 = tpu.memref_slice %dma_wait3A_36[%dma_wait3A_37] : memref<120064xf32, #tpu.memory_space<hbm>> -> memref<4864xf32, #tpu.memory_space<hbm>>
        %dma_wait3A_39 = arith.constant 0 : i32
        %dma_wait3A_40 = tpu.memref_slice %arg4[%add3A_12, %dma_wait3A_39] : memref<128x120064xf32, #tpu.memory_space<hbm>> -> memref<1x120064xf32, #tpu.memory_space<hbm>>
        %dma_wait3A_41 = tpu.memref_squeeze %dma_wait3A_40 : memref<1x120064xf32, #tpu.memory_space<hbm>> -> memref<120064xf32, #tpu.memory_space<hbm>>
        %dma_wait3A_42 = arith.constant 115200 : i32
        %dma_wait3A_43 = tpu.memref_slice %dma_wait3A_41[%dma_wait3A_42] : memref<120064xf32, #tpu.memory_space<hbm>> -> memref<4864xf32, #tpu.memory_space<hbm>>
        %dma_wait3A_44 = arith.constant 0 : i32
        %dma_wait3A_45 = tpu.memref_slice %arg7[%dma_wait3A_44] : memref<7680xf32, #tpu.memory_space<vmem>> -> memref<4864xf32, #tpu.memory_space<vmem>>
        tpu.wait_dma2 semaphore(%run_scoped3A : memref<!tpu.dma_semaphore, #tpu.memory_space<semaphore_mem>>) src(%dma_wait3A_45 : memref<4864xf32, #tpu.memory_space<vmem>>) dst(%dma_wait3A_43 : memref<4864xf32, #tpu.memory_space<hbm>>)
        tpu.yield
      }) : () -> ()
    }
    %scan3A_4 = arith.constant 4 : i32
    return
  }
}

#map = affine_map<(d0, d1) -> (0, 0)>
module attributes {stable_mosaic.version = 14 : i64} {
  func.func @hist_kernel(%arg0: i32, %arg1: i32, %arg2: memref<128x40064xf32, #tpu.memory_space<hbm>>, %arg3: memref<128x40064xf32, #tpu.memory_space<hbm>>, %arg4: memref<128x40064xi32, #tpu.memory_space<hbm>>, %arg5: memref<40064xf32, #tpu.memory_space<vmem>>, %arg6: memref<40064xf32, #tpu.memory_space<vmem>>, %arg7: memref<40064xi32, #tpu.memory_space<vmem>>) attributes {dimension_semantics = [#tpu.dimension_semantics<core_parallel>, #tpu.dimension_semantics<subcore_parallel>], iteration_bounds = array<i64: 2, 16>, scalar_prefetch = 0 : i64, scratch_operands = 3 : i64, tpu.core_type = #tpu.core_type<sc_vector_subcore>, window_params = [{transform_indices = #map}, {transform_indices = #map}, {transform_indices = #map}]} {
    %mul3A = arith.constant 2 : i32
    %mul3A_0 = arith.muli %arg1, %mul3A : i32
    %add3A = arith.addi %mul3A_0, %arg0 : i32
    %scan3A = arith.constant 0 : i32
    %scan3A_1 = arith.constant 4 : i32
    %scan3A_2 = arith.addi %scan3A, %scan3A_1 : i32
    %scan3A_3 = arith.constant 1 : i32
    scf.for %scan3A_5 = %scan3A to %scan3A_2 step %scan3A_3  : i32 {
      %mul3A_6 = arith.constant 1 : i32
      %mul3A_7 = arith.muli %scan3A_5, %mul3A_6 : i32
      %add3A_8 = arith.constant 0 : i32
      %add3A_9 = arith.addi %add3A_8, %mul3A_7 : i32
      %mul3A_10 = arith.constant 32 : i32
      %mul3A_11 = arith.muli %add3A_9, %mul3A_10 : i32
      %add3A_12 = arith.addi %mul3A_11, %add3A : i32
      "tpu.region"() ({
        %run_scoped3A = tpu.sem_alloc : memref<!tpu.dma_semaphore, #tpu.memory_space<semaphore_mem>>
        %dma_start3A = arith.constant 0 : i32
        %dma_start3A_21 = tpu.memref_slice %arg3[%add3A_12, %dma_start3A] : memref<128x40064xf32, #tpu.memory_space<hbm>> -> memref<1x40064xf32, #tpu.memory_space<hbm>>
        %dma_start3A_22 = tpu.memref_squeeze %dma_start3A_21 : memref<1x40064xf32, #tpu.memory_space<hbm>> -> memref<40064xf32, #tpu.memory_space<hbm>>
        %dma_start3A_23 = arith.constant 0 : i32
        %dma_start3A_24 = tpu.memref_slice %arg3[%add3A_12, %dma_start3A_23] : memref<128x40064xf32, #tpu.memory_space<hbm>> -> memref<1x40064xf32, #tpu.memory_space<hbm>>
        %dma_start3A_25 = tpu.memref_squeeze %dma_start3A_24 : memref<1x40064xf32, #tpu.memory_space<hbm>> -> memref<40064xf32, #tpu.memory_space<hbm>>
        tpu.enqueue_dma source(%dma_start3A_25 : memref<40064xf32, #tpu.memory_space<hbm>>) target(%arg5 : memref<40064xf32, #tpu.memory_space<vmem>>) target_semaphore(%run_scoped3A : memref<!tpu.dma_semaphore, #tpu.memory_space<semaphore_mem>>)
        %dma_wait3A = arith.constant 0 : i32
        %dma_wait3A_26 = tpu.memref_slice %arg3[%add3A_12, %dma_wait3A] : memref<128x40064xf32, #tpu.memory_space<hbm>> -> memref<1x40064xf32, #tpu.memory_space<hbm>>
        %dma_wait3A_27 = tpu.memref_squeeze %dma_wait3A_26 : memref<1x40064xf32, #tpu.memory_space<hbm>> -> memref<40064xf32, #tpu.memory_space<hbm>>
        %dma_wait3A_28 = arith.constant 0 : i32
        %dma_wait3A_29 = tpu.memref_slice %arg3[%add3A_12, %dma_wait3A_28] : memref<128x40064xf32, #tpu.memory_space<hbm>> -> memref<1x40064xf32, #tpu.memory_space<hbm>>
        %dma_wait3A_30 = tpu.memref_squeeze %dma_wait3A_29 : memref<1x40064xf32, #tpu.memory_space<hbm>> -> memref<40064xf32, #tpu.memory_space<hbm>>
        tpu.wait_dma2 semaphore(%run_scoped3A : memref<!tpu.dma_semaphore, #tpu.memory_space<semaphore_mem>>) src(%dma_wait3A_30 : memref<40064xf32, #tpu.memory_space<hbm>>) dst(%arg5 : memref<40064xf32, #tpu.memory_space<vmem>>)
        tpu.yield
      }) : () -> ()
      "tpu.region"() ({
        %run_scoped3A = tpu.sem_alloc : memref<!tpu.dma_semaphore, #tpu.memory_space<semaphore_mem>>
        %dma_start3A = arith.constant 0 : i32
        %dma_start3A_21 = tpu.memref_slice %arg2[%add3A_12, %dma_start3A] : memref<128x40064xf32, #tpu.memory_space<hbm>> -> memref<1x40064xf32, #tpu.memory_space<hbm>>
        %dma_start3A_22 = tpu.memref_squeeze %dma_start3A_21 : memref<1x40064xf32, #tpu.memory_space<hbm>> -> memref<40064xf32, #tpu.memory_space<hbm>>
        %dma_start3A_23 = arith.constant 0 : i32
        %dma_start3A_24 = tpu.memref_slice %arg2[%add3A_12, %dma_start3A_23] : memref<128x40064xf32, #tpu.memory_space<hbm>> -> memref<1x40064xf32, #tpu.memory_space<hbm>>
        %dma_start3A_25 = tpu.memref_squeeze %dma_start3A_24 : memref<1x40064xf32, #tpu.memory_space<hbm>> -> memref<40064xf32, #tpu.memory_space<hbm>>
        tpu.enqueue_dma source(%dma_start3A_25 : memref<40064xf32, #tpu.memory_space<hbm>>) target(%arg6 : memref<40064xf32, #tpu.memory_space<vmem>>) target_semaphore(%run_scoped3A : memref<!tpu.dma_semaphore, #tpu.memory_space<semaphore_mem>>)
        %dma_wait3A = arith.constant 0 : i32
        %dma_wait3A_26 = tpu.memref_slice %arg2[%add3A_12, %dma_wait3A] : memref<128x40064xf32, #tpu.memory_space<hbm>> -> memref<1x40064xf32, #tpu.memory_space<hbm>>
        %dma_wait3A_27 = tpu.memref_squeeze %dma_wait3A_26 : memref<1x40064xf32, #tpu.memory_space<hbm>> -> memref<40064xf32, #tpu.memory_space<hbm>>
        %dma_wait3A_28 = arith.constant 0 : i32
        %dma_wait3A_29 = tpu.memref_slice %arg2[%add3A_12, %dma_wait3A_28] : memref<128x40064xf32, #tpu.memory_space<hbm>> -> memref<1x40064xf32, #tpu.memory_space<hbm>>
        %dma_wait3A_30 = tpu.memref_squeeze %dma_wait3A_29 : memref<1x40064xf32, #tpu.memory_space<hbm>> -> memref<40064xf32, #tpu.memory_space<hbm>>
        tpu.wait_dma2 semaphore(%run_scoped3A : memref<!tpu.dma_semaphore, #tpu.memory_space<semaphore_mem>>) src(%dma_wait3A_30 : memref<40064xf32, #tpu.memory_space<hbm>>) dst(%arg6 : memref<40064xf32, #tpu.memory_space<vmem>>)
        tpu.yield
      }) : () -> ()
      %parallel_loop3A = arith.constant 0 : i32
      %parallel_loop3A_13 = arith.constant 40064 : i32
      %parallel_loop3A_14 = arith.constant 16 : i32
      scf.for %parallel_loop3A_21 = %parallel_loop3A to %parallel_loop3A_13 step %parallel_loop3A_14  : i32 {
        %parallel_loop3A_22 = arith.constant 0 : i32
        %parallel_loop3A_23 = vector.broadcast %parallel_loop3A_22 : i32 to vector<16xi32>
        %parallel_loop3A_24 = arith.index_cast %parallel_loop3A_21 : i32 to index
        %parallel_loop3A_25 = tpu.vector_load %arg7[%parallel_loop3A_24] {strides = array<i32>} : memref<40064xi32, #tpu.memory_space<vmem>>, vector<16xi32>,
        tpu.vector_store %arg7[%parallel_loop3A_24], %parallel_loop3A_23 {strides = array<i32>} : memref<40064xi32, #tpu.memory_space<vmem>>, vector<16xi32>,
      } {sc.loop_unroll_factor = 4 : i64, sc.parallel_access}
      %broadcast_in_dim3A = arith.constant 1 : i32
      %broadcast_in_dim3A_15 = vector.broadcast %broadcast_in_dim3A : i32 to vector<16xi32>
      %broadcast_in_dim3A_16 = arith.constant 0 : i32
      %broadcast_in_dim3A_17 = vector.broadcast %broadcast_in_dim3A_16 : i32 to vector<16xi32>
      %parallel_loop3A_18 = arith.constant 0 : i32
      %parallel_loop3A_19 = arith.constant 40000 : i32
      %parallel_loop3A_20 = arith.constant 16 : i32
      scf.for %parallel_loop3A_21 = %parallel_loop3A_18 to %parallel_loop3A_19 step %parallel_loop3A_20  : i32 {
        %parallel_loop3A_22 = arith.index_cast %parallel_loop3A_21 : i32 to index
        %parallel_loop3A_23 = tpu.vector_load %arg6[%parallel_loop3A_22] {strides = array<i32>} : memref<40064xf32, #tpu.memory_space<vmem>>, vector<16xf32>,
        %parallel_loop3A_24 = arith.constant 4.000000e+04 : f32
        %parallel_loop3A_25 = vector.broadcast %parallel_loop3A_24 : f32 to vector<16xf32>
        %parallel_loop3A_26 = arith.mulf %parallel_loop3A_23, %parallel_loop3A_25 : vector<16xf32>
        %parallel_loop3A_27 = arith.fptosi %parallel_loop3A_26 : vector<16xf32> to vector<16xi32>
        %parallel_loop3A_28 = arith.constant 39999 : i32
        %parallel_loop3A_29 = vector.broadcast %parallel_loop3A_28 : i32 to vector<16xi32>
        %parallel_loop3A_30 = arith.minsi %parallel_loop3A_27, %parallel_loop3A_29 : vector<16xi32>
        %parallel_loop3A_31 = arith.constant 1 : i32
        %parallel_loop3A_32 = vector.broadcast %parallel_loop3A_31 : i32 to vector<16xi32>
        %parallel_loop3A_33 = arith.subi %parallel_loop3A_30, %parallel_loop3A_32 : vector<16xi32>
        %parallel_loop3A_34 = arith.constant 0 : i32
        %parallel_loop3A_35 = vector.broadcast %parallel_loop3A_34 : i32 to vector<16xi32>
        %parallel_loop3A_36 = arith.maxsi %parallel_loop3A_33, %parallel_loop3A_35 : vector<16xi32>
        %parallel_loop3A_37 = tpu.vector_load_idx %arg5[%parallel_loop3A_36] : memref<40064xf32, #tpu.memory_space<vmem>>[vector<16xi32>], vector<16xf32>,
        %parallel_loop3A_38 = tpu.vector_load_idx %arg5[%parallel_loop3A_30] : memref<40064xf32, #tpu.memory_space<vmem>>[vector<16xi32>], vector<16xf32>,
        %parallel_loop3A_39 = arith.constant 1 : i32
        %parallel_loop3A_40 = vector.broadcast %parallel_loop3A_39 : i32 to vector<16xi32>
        %parallel_loop3A_41 = arith.addi %parallel_loop3A_30, %parallel_loop3A_40 : vector<16xi32>
        %parallel_loop3A_42 = tpu.vector_load_idx %arg5[%parallel_loop3A_41] : memref<40064xf32, #tpu.memory_space<vmem>>[vector<16xi32>], vector<16xf32>,
        %parallel_loop3A_43 = arith.constant 0 : i32
        %parallel_loop3A_44 = vector.broadcast %parallel_loop3A_43 : i32 to vector<16xi32>
        %parallel_loop3A_45 = arith.cmpi eq, %parallel_loop3A_30, %parallel_loop3A_44 : vector<16xi32>
        %parallel_loop3A_46 = arith.cmpf ole, %parallel_loop3A_37, %parallel_loop3A_23 : vector<16xf32>
        %parallel_loop3A_47 = arith.select %parallel_loop3A_46, %broadcast_in_dim3A_15, %broadcast_in_dim3A_17 : vector<16xi1>, vector<16xi32>
        %parallel_loop3A_48 = arith.select %parallel_loop3A_45, %broadcast_in_dim3A_15, %parallel_loop3A_47 : vector<16xi1>, vector<16xi32>
        %parallel_loop3A_49 = arith.cmpf ole, %parallel_loop3A_38, %parallel_loop3A_23 : vector<16xf32>
        %parallel_loop3A_50 = arith.select %parallel_loop3A_49, %broadcast_in_dim3A_15, %broadcast_in_dim3A_17 : vector<16xi1>, vector<16xi32>
        %parallel_loop3A_51 = arith.cmpf ole, %parallel_loop3A_42, %parallel_loop3A_23 : vector<16xf32>
        %parallel_loop3A_52 = arith.select %parallel_loop3A_51, %broadcast_in_dim3A_15, %broadcast_in_dim3A_17 : vector<16xi1>, vector<16xi32>
        %parallel_loop3A_53 = arith.constant 1 : i32
        %parallel_loop3A_54 = vector.broadcast %parallel_loop3A_53 : i32 to vector<16xi32>
        %parallel_loop3A_55 = arith.subi %parallel_loop3A_30, %parallel_loop3A_54 : vector<16xi32>
        %parallel_loop3A_56 = arith.addi %parallel_loop3A_55, %parallel_loop3A_48 : vector<16xi32>
        %parallel_loop3A_57 = arith.addi %parallel_loop3A_56, %parallel_loop3A_50 : vector<16xi32>
        %parallel_loop3A_58 = arith.addi %parallel_loop3A_57, %parallel_loop3A_52 : vector<16xi32>
        tpu.vector_store_idx %arg7[%parallel_loop3A_58], %broadcast_in_dim3A_15 {add = true} : memref<40064xi32, #tpu.memory_space<vmem>>[vector<16xi32>], vector<16xi32>,
      } {sc.loop_unroll_factor = 4 : i64, sc.parallel_access}
      "tpu.region"() ({
        %run_scoped3A = tpu.sem_alloc : memref<!tpu.dma_semaphore, #tpu.memory_space<semaphore_mem>>
        %dma_start3A = arith.constant 0 : i32
        %dma_start3A_21 = tpu.memref_slice %arg4[%add3A_12, %dma_start3A] : memref<128x40064xi32, #tpu.memory_space<hbm>> -> memref<1x40064xi32, #tpu.memory_space<hbm>>
        %dma_start3A_22 = tpu.memref_squeeze %dma_start3A_21 : memref<1x40064xi32, #tpu.memory_space<hbm>> -> memref<40064xi32, #tpu.memory_space<hbm>>
        %dma_start3A_23 = arith.constant 0 : i32
        %dma_start3A_24 = tpu.memref_slice %arg4[%add3A_12, %dma_start3A_23] : memref<128x40064xi32, #tpu.memory_space<hbm>> -> memref<1x40064xi32, #tpu.memory_space<hbm>>
        %dma_start3A_25 = tpu.memref_squeeze %dma_start3A_24 : memref<1x40064xi32, #tpu.memory_space<hbm>> -> memref<40064xi32, #tpu.memory_space<hbm>>
        tpu.enqueue_dma source(%arg7 : memref<40064xi32, #tpu.memory_space<vmem>>) target(%dma_start3A_25 : memref<40064xi32, #tpu.memory_space<hbm>>) target_semaphore(%run_scoped3A : memref<!tpu.dma_semaphore, #tpu.memory_space<semaphore_mem>>)
        %dma_wait3A = arith.constant 0 : i32
        %dma_wait3A_26 = tpu.memref_slice %arg4[%add3A_12, %dma_wait3A] : memref<128x40064xi32, #tpu.memory_space<hbm>> -> memref<1x40064xi32, #tpu.memory_space<hbm>>
        %dma_wait3A_27 = tpu.memref_squeeze %dma_wait3A_26 : memref<1x40064xi32, #tpu.memory_space<hbm>> -> memref<40064xi32, #tpu.memory_space<hbm>>
        %dma_wait3A_28 = arith.constant 0 : i32
        %dma_wait3A_29 = tpu.memref_slice %arg4[%add3A_12, %dma_wait3A_28] : memref<128x40064xi32, #tpu.memory_space<hbm>> -> memref<1x40064xi32, #tpu.memory_space<hbm>>
        %dma_wait3A_30 = tpu.memref_squeeze %dma_wait3A_29 : memref<1x40064xi32, #tpu.memory_space<hbm>> -> memref<40064xi32, #tpu.memory_space<hbm>>
        tpu.wait_dma2 semaphore(%run_scoped3A : memref<!tpu.dma_semaphore, #tpu.memory_space<semaphore_mem>>) src(%arg7 : memref<40064xi32, #tpu.memory_space<vmem>>) dst(%dma_wait3A_30 : memref<40064xi32, #tpu.memory_space<hbm>>)
        tpu.yield
      }) : () -> ()
    }
    %scan3A_4 = arith.constant 4 : i32
    return
  }
}

module attributes {stable_mosaic.version = 14 : i64} {
  func.func @_sum_body(%arg0: memref<40000x128xf32, #tpu.memory_space<vmem>>, %arg1: memref<1x128xf32, #tpu.memory_space<vmem>>) attributes {dimension_semantics = [], scalar_prefetch = 0 : i64, scratch_operands = 0 : i64, tpu.core_type = #tpu.core_type<tc>} {
    %broadcast_in_dim3A = arith.constant 0.000000e+00 : f32
    %broadcast_in_dim3A_0 = vector.broadcast %broadcast_in_dim3A : f32 to vector<1x128xf32>
    %scan3A = arith.constant 0 : i32
    %scan3A_1 = arith.constant 5 : i32
    %scan3A_2 = arith.addi %scan3A, %scan3A_1 : i32
    %scan3A_3 = arith.constant 1 : i32
    %scan3A_4 = scf.for %scan3A_10 = %scan3A to %scan3A_2 step %scan3A_3 iter_args(%scan3A_11 = %broadcast_in_dim3A_0) -> (vector<1x128xf32>)  : i32 {
      %broadcast_in_dim3A_12 = arith.constant 0.000000e+00 : f32
      %broadcast_in_dim3A_13 = vector.broadcast %broadcast_in_dim3A_12 : f32 to vector<8x128xf32>
      %scan3A_14 = arith.constant 0 : i32
      %scan3A_15 = arith.constant 500 : i32
      %scan3A_16 = arith.addi %scan3A_14, %scan3A_15 : i32
      %scan3A_17 = arith.constant 1 : i32
      %scan3A_18 = scf.for %scan3A_28 = %scan3A_14 to %scan3A_16 step %scan3A_17 iter_args(%scan3A_29 = %broadcast_in_dim3A_13) -> (vector<8x128xf32>)  : i32 {
        %mul3A = arith.constant 500 : i32
        %mul3A_30 = arith.muli %scan3A_10, %mul3A : i32
        %add3A_31 = arith.addi %mul3A_30, %scan3A_28 : i32
        %mul3A_32 = arith.constant 8 : i32
        %mul3A_33 = arith.muli %add3A_31, %mul3A_32 : i32
        %get3A = arith.index_cast %mul3A_33 : i32 to index
        %get3A_34 = arith.constant 0 : index
        %get3A_35 = vector.load %arg0[%get3A, %get3A_34] : memref<40000x128xf32, #tpu.memory_space<vmem>>, vector<8x128xf32>
        %add3A_36 = arith.addf %scan3A_29, %get3A_35 : vector<8x128xf32>
        %add3A_37 = arith.constant 20000 : i32
        %add3A_38 = arith.addi %add3A_37, %mul3A_33 : i32
        %get3A_39 = arith.index_cast %add3A_38 : i32 to index
        %get3A_40 = arith.constant 0 : index
        %get3A_41 = vector.load %arg0[%get3A_39, %get3A_40] : memref<40000x128xf32, #tpu.memory_space<vmem>>, vector<8x128xf32>
        %add3A_42 = arith.addf %add3A_36, %get3A_41 : vector<8x128xf32>
        scf.yield %add3A_42 : vector<8x128xf32>
      }
      %scan3A_19 = arith.constant 500 : i32
      %slice3A = vector.extract_strided_slice %scan3A_18 {offsets = [0, 0], sizes = [4, 128], strides = [1, 1]} : vector<8x128xf32> to vector<4x128xf32>
      %slice3A_20 = vector.extract_strided_slice %scan3A_18 {offsets = [4, 0], sizes = [4, 128], strides = [1, 1]} : vector<8x128xf32> to vector<4x128xf32>
      %add3A = arith.addf %slice3A, %slice3A_20 : vector<4x128xf32>
      %slice3A_21 = vector.extract_strided_slice %add3A {offsets = [0, 0], sizes = [2, 128], strides = [1, 1]} : vector<4x128xf32> to vector<2x128xf32>
      %slice3A_22 = vector.extract_strided_slice %add3A {offsets = [2, 0], sizes = [2, 128], strides = [1, 1]} : vector<4x128xf32> to vector<2x128xf32>
      %add3A_23 = arith.addf %slice3A_21, %slice3A_22 : vector<2x128xf32>
      %slice3A_24 = vector.extract_strided_slice %add3A_23 {offsets = [0, 0], sizes = [1, 128], strides = [1, 1]} : vector<2x128xf32> to vector<1x128xf32>
      %slice3A_25 = vector.extract_strided_slice %add3A_23 {offsets = [1, 0], sizes = [1, 128], strides = [1, 1]} : vector<2x128xf32> to vector<1x128xf32>
      %add3A_26 = arith.addf %slice3A_24, %slice3A_25 : vector<1x128xf32>
      %add3A_27 = arith.addf %scan3A_11, %add3A_26 : vector<1x128xf32>
      scf.yield %add3A_27 : vector<1x128xf32>
    }
    %scan3A_5 = arith.constant 5 : i32
    %div3A = arith.constant 1.000000e+00 : f32
    %div3A_6 = vector.broadcast %div3A : f32 to vector<1x128xf32>
    %div3A_7 = arith.divf %div3A_6, %scan3A_4 : vector<1x128xf32>
    %swap3A = arith.constant 0 : index
    %swap3A_8 = arith.constant 0 : index
    %swap3A_9 = vector.load %arg1[%swap3A, %swap3A_8] : memref<1x128xf32, #tpu.memory_space<vmem>>, vector<1x128xf32>
    tpu.vector_store %arg1[%swap3A, %swap3A_8], %div3A_7 {strides = array<i32>} : memref<1x128xf32, #tpu.memory_space<vmem>>, vector<1x128xf32>,
    return
  }
}

module attributes {stable_mosaic.version = 14 : i64} {
  func.func @_pos_body(%arg0: i32, %arg1: memref<8x40000xf32, #tpu.memory_space<vmem>>, %arg2: memref<8x40064xf32, #tpu.memory_space<vmem>>) attributes {dimension_semantics = [#tpu.dimension_semantics<arbitrary>], iteration_bounds = array<i64: 16>, scalar_prefetch = 0 : i64, scratch_operands = 0 : i64, tpu.core_type = #tpu.core_type<tc>, window_params = [{transform_indices = @transform_0, window_bounds = array<i64: 8, 40000>}, {transform_indices = @transform_1, window_bounds = array<i64: 8, 40064>}]} {
    %div3A = arith.constant 1.000000e+00 : f32
    %div3A_0 = arith.constant 4.000000e+04 : f32
    %div3A_1 = arith.divf %div3A, %div3A_0 : f32
    %iota3A = tpu.iota {dimensions = array<i32: 1>} : vector<8x40000xi32>
    %convert_element_type3A = arith.sitofp %iota3A : vector<8x40000xi32> to vector<8x40000xf32>
    %get3A = arith.constant 0 : index
    %get3A_2 = arith.constant 0 : index
    %get3A_3 = vector.load %arg1[%get3A, %get3A_2] : memref<8x40000xf32, #tpu.memory_space<vmem>>, vector<8x40000xf32>
    %add3A = arith.addf %get3A_3, %convert_element_type3A : vector<8x40000xf32>
    %mul3A = vector.broadcast %div3A_1 : f32 to vector<8x40000xf32>
    %mul3A_4 = arith.mulf %add3A, %mul3A : vector<8x40000xf32>
    %swap3A = arith.constant 0 : index
    %swap3A_5 = arith.constant 0 : index
    %swap3A_6 = vector.load %arg2[%swap3A, %swap3A_5] : memref<8x40064xf32, #tpu.memory_space<vmem>>, vector<8x40000xf32>
    tpu.vector_store %arg2[%swap3A, %swap3A_5], %mul3A_4 {strides = array<i32>} : memref<8x40064xf32, #tpu.memory_space<vmem>>, vector<8x40000xf32>,
    %broadcast_in_dim3A = arith.constant 2.000000e+00 : f32
    %broadcast_in_dim3A_7 = vector.broadcast %broadcast_in_dim3A : f32 to vector<8x64xf32>
    %swap3A_8 = arith.constant 0 : index
    %swap3A_9 = arith.constant 40000 : index
    %swap3A_10 = vector.load %arg2[%swap3A_8, %swap3A_9] : memref<8x40064xf32, #tpu.memory_space<vmem>>, vector<8x64xf32>
    tpu.vector_store %arg2[%swap3A_8, %swap3A_9], %broadcast_in_dim3A_7 {strides = array<i32>} : memref<8x40064xf32, #tpu.memory_space<vmem>>, vector<8x64xf32>,
    return
  }
  func.func @transform_0(%arg0: i32) -> (i32, i32) {
    %c0_i32 = arith.constant 0 : i32
    %c0_i32_0 = arith.constant 0 : i32
    return %arg0, %c0_i32 : i32, i32
  }
  func.func @transform_1(%arg0: i32) -> (i32, i32) {
    %c0_i32 = arith.constant 0 : i32
    %c0_i32_0 = arith.constant 0 : i32
    return %arg0, %c0_i32 : i32, i32
  }
}

module attributes {stable_mosaic.version = 14 : i64} {
  func.func @_cdf_body(%arg0: memref<128x313x128xf32, #tpu.memory_space<vmem>>, %arg1: memref<1x128xf32, #tpu.memory_space<vmem>>, %arg2: memref<128x313x128xf32, #tpu.memory_space<vmem>>, %arg3: memref<313x128xf32, #tpu.memory_space<vmem>>) attributes {dimension_semantics = [], scalar_prefetch = 0 : i64, scratch_operands = 1 : i64, tpu.core_type = #tpu.core_type<tc>} {
    %get3A = arith.constant 0 : index
    %get3A_0 = arith.constant 0 : index
    %get3A_1 = arith.constant 0 : index
    %get3A_2 = vector.load %arg0[%get3A, %get3A_0, %get3A_1] : memref<128x313x128xf32, #tpu.memory_space<vmem>>, vector<128x313x128xf32>
    %get3A_3 = arith.constant 0 : index
    %get3A_4 = arith.constant 0 : index
    %get3A_5 = vector.load %arg1[%get3A_3, %get3A_4] : memref<1x128xf32, #tpu.memory_space<vmem>>, vector<1x128xf32>
    %reshape3A = vector.shape_cast %get3A_5 : vector<1x128xf32> to vector<1x1x128xf32>
    %mul3A = vector.broadcast %reshape3A : vector<1x1x128xf32> to vector<128x313x128xf32>
    %mul3A_6 = arith.mulf %get3A_2, %mul3A : vector<128x313x128xf32>
    %swap3A = arith.constant 0 : index
    %swap3A_7 = arith.constant 0 : index
    %swap3A_8 = arith.constant 0 : index
    %swap3A_9 = vector.load %arg2[%swap3A, %swap3A_7, %swap3A_8] : memref<128x313x128xf32, #tpu.memory_space<vmem>>, vector<128x313x128xf32>
    tpu.vector_store %arg2[%swap3A, %swap3A_7, %swap3A_8], %mul3A_6 {strides = array<i32>} : memref<128x313x128xf32, #tpu.memory_space<vmem>>, vector<128x313x128xf32>,
    %scan3A = arith.constant 1 : i32
    %scan3A_10 = arith.constant 127 : i32
    %scan3A_11 = arith.addi %scan3A, %scan3A_10 : i32
    %scan3A_12 = arith.constant 1 : i32
    scf.for %scan3A_65 = %scan3A to %scan3A_11 step %scan3A_12  : i32 {
      %get3A_66 = arith.index_cast %scan3A_65 : i32 to index
      %get3A_67 = arith.constant 0 : index
      %get3A_68 = arith.constant 0 : index
      %get3A_69 = vector.load %arg2[%get3A_66, %get3A_67, %get3A_68] : memref<128x313x128xf32, #tpu.memory_space<vmem>>, vector<1x313x128xf32>
      %sub3A = arith.constant 1 : i32
      %sub3A_70 = arith.subi %scan3A_65, %sub3A : i32
      %get3A_71 = arith.index_cast %sub3A_70 : i32 to index
      %get3A_72 = arith.constant 0 : index
      %get3A_73 = arith.constant 0 : index
      %get3A_74 = vector.load %arg2[%get3A_71, %get3A_72, %get3A_73] : memref<128x313x128xf32, #tpu.memory_space<vmem>>, vector<1x313x128xf32>
      %add3A_75 = arith.addf %get3A_69, %get3A_74 : vector<1x313x128xf32>
      %swap3A_76 = arith.index_cast %scan3A_65 : i32 to index
      %swap3A_77 = arith.constant 0 : index
      %swap3A_78 = arith.constant 0 : index
      %swap3A_79 = vector.load %arg2[%swap3A_76, %swap3A_77, %swap3A_78] : memref<128x313x128xf32, #tpu.memory_space<vmem>>, vector<1x313x128xf32>
      tpu.vector_store %arg2[%swap3A_76, %swap3A_77, %swap3A_78], %add3A_75 {strides = array<i32>} : memref<128x313x128xf32, #tpu.memory_space<vmem>>, vector<1x313x128xf32>,
    }
    %scan3A_13 = arith.constant 127 : i32
    %broadcast_in_dim3A = arith.constant 0.000000e+00 : f32
    %broadcast_in_dim3A_14 = vector.broadcast %broadcast_in_dim3A : f32 to vector<1x128xf32>
    %get3A_15 = arith.constant 127 : index
    %get3A_16 = arith.constant 0 : index
    %get3A_17 = arith.constant 0 : index
    %get3A_18 = vector.load %arg2[%get3A_15, %get3A_16, %get3A_17] : memref<128x313x128xf32, #tpu.memory_space<vmem>>, vector<1x1x128xf32>
    %get3A_19 = vector.shape_cast %get3A_18 : vector<1x1x128xf32> to vector<1x128xf32>
    %add3A = arith.addf %get3A_19, %broadcast_in_dim3A_14 : vector<1x128xf32>
    %swap3A_20 = arith.constant 0 : index
    %swap3A_21 = arith.constant 0 : index
    %swap3A_22 = vector.load %arg3[%swap3A_20, %swap3A_21] : memref<313x128xf32, #tpu.memory_space<vmem>>, vector<1x128xf32>
    tpu.vector_store %arg3[%swap3A_20, %swap3A_21], %add3A {strides = array<i32>} : memref<313x128xf32, #tpu.memory_space<vmem>>, vector<1x128xf32>,
    %scan3A_23 = arith.constant 1 : i32
    %scan3A_24 = arith.constant 127 : i32
    %scan3A_25 = arith.addi %scan3A_23, %scan3A_24 : i32
    %scan3A_26 = arith.constant 1 : i32
    %scan3A_27 = scf.for %scan3A_65 = %scan3A_23 to %scan3A_25 step %scan3A_26 iter_args(%scan3A_66 = %get3A_19) -> (vector<1x128xf32>)  : i32 {
      %get3A_67 = arith.constant 127 : index
      %get3A_68 = arith.index_cast %scan3A_65 : i32 to index
      %get3A_69 = arith.constant 0 : index
      %get3A_70 = vector.load %arg2[%get3A_67, %get3A_68, %get3A_69] : memref<128x313x128xf32, #tpu.memory_space<vmem>>, vector<1x1x128xf32>
      %get3A_71 = vector.shape_cast %get3A_70 : vector<1x1x128xf32> to vector<1x128xf32>
      %add3A_72 = arith.addf %scan3A_66, %get3A_71 : vector<1x128xf32>
      %add3A_73 = arith.addf %add3A_72, %broadcast_in_dim3A_14 : vector<1x128xf32>
      %swap3A_74 = arith.index_cast %scan3A_65 : i32 to index
      %swap3A_75 = arith.constant 0 : index
      %swap3A_76 = vector.load %arg3[%swap3A_74, %swap3A_75] : memref<313x128xf32, #tpu.memory_space<vmem>>, vector<1x128xf32>
      tpu.vector_store %arg3[%swap3A_74, %swap3A_75], %add3A_73 {strides = array<i32>} : memref<313x128xf32, #tpu.memory_space<vmem>>, vector<1x128xf32>,
      scf.yield %add3A_72 : vector<1x128xf32>
    }
    %scan3A_28 = arith.constant 127 : i32
    %get3A_29 = arith.constant 127 : index
    %get3A_30 = arith.constant 128 : index
    %get3A_31 = arith.constant 0 : index
    %get3A_32 = vector.load %arg2[%get3A_29, %get3A_30, %get3A_31] : memref<128x313x128xf32, #tpu.memory_space<vmem>>, vector<1x1x128xf32>
    %get3A_33 = vector.shape_cast %get3A_32 : vector<1x1x128xf32> to vector<1x128xf32>
    %add3A_34 = arith.addf %get3A_33, %scan3A_27 : vector<1x128xf32>
    %swap3A_35 = arith.constant 128 : index
    %swap3A_36 = arith.constant 0 : index
    %swap3A_37 = vector.load %arg3[%swap3A_35, %swap3A_36] : memref<313x128xf32, #tpu.memory_space<vmem>>, vector<1x128xf32>
    tpu.vector_store %arg3[%swap3A_35, %swap3A_36], %add3A_34 {strides = array<i32>} : memref<313x128xf32, #tpu.memory_space<vmem>>, vector<1x128xf32>,
    %scan3A_38 = arith.constant 129 : i32
    %scan3A_39 = arith.constant 127 : i32
    %scan3A_40 = arith.addi %scan3A_38, %scan3A_39 : i32
    %scan3A_41 = arith.constant 1 : i32
    %scan3A_42 = scf.for %scan3A_65 = %scan3A_38 to %scan3A_40 step %scan3A_41 iter_args(%scan3A_66 = %get3A_33) -> (vector<1x128xf32>)  : i32 {
      %get3A_67 = arith.constant 127 : index
      %get3A_68 = arith.index_cast %scan3A_65 : i32 to index
      %get3A_69 = arith.constant 0 : index
      %get3A_70 = vector.load %arg2[%get3A_67, %get3A_68, %get3A_69] : memref<128x313x128xf32, #tpu.memory_space<vmem>>, vector<1x1x128xf32>
      %get3A_71 = vector.shape_cast %get3A_70 : vector<1x1x128xf32> to vector<1x128xf32>
      %add3A_72 = arith.addf %scan3A_66, %get3A_71 : vector<1x128xf32>
      %add3A_73 = arith.addf %add3A_72, %scan3A_27 : vector<1x128xf32>
      %swap3A_74 = arith.index_cast %scan3A_65 : i32 to index
      %swap3A_75 = arith.constant 0 : index
      %swap3A_76 = vector.load %arg3[%swap3A_74, %swap3A_75] : memref<313x128xf32, #tpu.memory_space<vmem>>, vector<1x128xf32>
      tpu.vector_store %arg3[%swap3A_74, %swap3A_75], %add3A_73 {strides = array<i32>} : memref<313x128xf32, #tpu.memory_space<vmem>>, vector<1x128xf32>,
      scf.yield %add3A_72 : vector<1x128xf32>
    }
    %scan3A_43 = arith.constant 127 : i32
    %add3A_44 = arith.addf %scan3A_27, %scan3A_42 : vector<1x128xf32>
    %get3A_45 = arith.constant 127 : index
    %get3A_46 = arith.constant 256 : index
    %get3A_47 = arith.constant 0 : index
    %get3A_48 = vector.load %arg2[%get3A_45, %get3A_46, %get3A_47] : memref<128x313x128xf32, #tpu.memory_space<vmem>>, vector<1x1x128xf32>
    %get3A_49 = vector.shape_cast %get3A_48 : vector<1x1x128xf32> to vector<1x128xf32>
    %add3A_50 = arith.addf %get3A_49, %add3A_44 : vector<1x128xf32>
    %swap3A_51 = arith.constant 256 : index
    %swap3A_52 = arith.constant 0 : index
    %swap3A_53 = vector.load %arg3[%swap3A_51, %swap3A_52] : memref<313x128xf32, #tpu.memory_space<vmem>>, vector<1x128xf32>
    tpu.vector_store %arg3[%swap3A_51, %swap3A_52], %add3A_50 {strides = array<i32>} : memref<313x128xf32, #tpu.memory_space<vmem>>, vector<1x128xf32>,
    %scan3A_54 = arith.constant 257 : i32
    %scan3A_55 = arith.constant 56 : i32
    %scan3A_56 = arith.addi %scan3A_54, %scan3A_55 : i32
    %scan3A_57 = arith.constant 1 : i32
    %scan3A_58 = scf.for %scan3A_65 = %scan3A_54 to %scan3A_56 step %scan3A_57 iter_args(%scan3A_66 = %get3A_49) -> (vector<1x128xf32>)  : i32 {
      %get3A_67 = arith.constant 127 : index
      %get3A_68 = arith.index_cast %scan3A_65 : i32 to index
      %get3A_69 = arith.constant 0 : index
      %get3A_70 = vector.load %arg2[%get3A_67, %get3A_68, %get3A_69] : memref<128x313x128xf32, #tpu.memory_space<vmem>>, vector<1x1x128xf32>
      %get3A_71 = vector.shape_cast %get3A_70 : vector<1x1x128xf32> to vector<1x128xf32>
      %add3A_72 = arith.addf %scan3A_66, %get3A_71 : vector<1x128xf32>
      %add3A_73 = arith.addf %add3A_72, %add3A_44 : vector<1x128xf32>
      %swap3A_74 = arith.index_cast %scan3A_65 : i32 to index
      %swap3A_75 = arith.constant 0 : index
      %swap3A_76 = vector.load %arg3[%swap3A_74, %swap3A_75] : memref<313x128xf32, #tpu.memory_space<vmem>>, vector<1x128xf32>
      tpu.vector_store %arg3[%swap3A_74, %swap3A_75], %add3A_73 {strides = array<i32>} : memref<313x128xf32, #tpu.memory_space<vmem>>, vector<1x128xf32>,
      scf.yield %add3A_72 : vector<1x128xf32>
    }
    %scan3A_59 = arith.constant 56 : i32
    %scan3A_60 = arith.constant 0 : i32
    %scan3A_61 = arith.constant 128 : i32
    %scan3A_62 = arith.addi %scan3A_60, %scan3A_61 : i32
    %scan3A_63 = arith.constant 1 : i32
    scf.for %scan3A_65 = %scan3A_60 to %scan3A_62 step %scan3A_63  : i32 {
      %get3A_66 = arith.index_cast %scan3A_65 : i32 to index
      %get3A_67 = arith.constant 1 : index
      %get3A_68 = arith.constant 0 : index
      %get3A_69 = vector.load %arg2[%get3A_66, %get3A_67, %get3A_68] : memref<128x313x128xf32, #tpu.memory_space<vmem>>, vector<1x312x128xf32>
      %get3A_70 = arith.constant 0 : index
      %get3A_71 = arith.constant 0 : index
      %get3A_72 = vector.load %arg3[%get3A_70, %get3A_71] : memref<313x128xf32, #tpu.memory_space<vmem>>, vector<312x128xf32>
      %broadcast_in_dim3A_73 = vector.shape_cast %get3A_72 : vector<312x128xf32> to vector<1x312x128xf32>
      %add3A_74 = arith.addf %get3A_69, %broadcast_in_dim3A_73 : vector<1x312x128xf32>
      %swap3A_75 = arith.index_cast %scan3A_65 : i32 to index
      %swap3A_76 = arith.constant 1 : index
      %swap3A_77 = arith.constant 0 : index
      %swap3A_78 = vector.load %arg2[%swap3A_75, %swap3A_76, %swap3A_77] : memref<128x313x128xf32, #tpu.memory_space<vmem>>, vector<1x312x128xf32>
      tpu.vector_store %arg2[%swap3A_75, %swap3A_76, %swap3A_77], %add3A_74 {strides = array<i32>} : memref<128x313x128xf32, #tpu.memory_space<vmem>>, vector<1x312x128xf32>,
    }
    %scan3A_64 = arith.constant 128 : i32
    return
  }
}

module attributes {stable_mosaic.version = 14 : i64} {
  func.func @_idx_body(%arg0: i32, %arg1: memref<8x313x128xi32, #tpu.memory_space<vmem>>, %arg2: memref<8x313x128xi32, #tpu.memory_space<vmem>>) attributes {dimension_semantics = [#tpu.dimension_semantics<arbitrary>], iteration_bounds = array<i64: 16>, scalar_prefetch = 0 : i64, scratch_operands = 0 : i64, tpu.core_type = #tpu.core_type<tc>, window_params = [{transform_indices = @transform_0, window_bounds = array<i64: 8, 313, 128>}, {transform_indices = @transform_1, window_bounds = array<i64: 8, 313, 128>}]} {
    %get3A = arith.constant 0 : index
    %get3A_0 = arith.constant 0 : index
    %get3A_1 = arith.constant 0 : index
    %get3A_2 = vector.load %arg1[%get3A, %get3A_0, %get3A_1] : memref<8x313x128xi32, #tpu.memory_space<vmem>>, vector<8x313x128xi32>
    %broadcast_in_dim3A = arith.constant 0 : i32
    %broadcast_in_dim3A_3 = vector.broadcast %broadcast_in_dim3A : i32 to vector<8x313x1xi32>
    %slice3A = vector.extract_strided_slice %get3A_2 {offsets = [0, 0, 0], sizes = [8, 313, 127], strides = [1, 1, 1]} : vector<8x313x128xi32> to vector<8x313x127xi32>
    %concatenate3A = tpu.concatenate %broadcast_in_dim3A_3, %slice3A in 2 : vector<8x313x1xi32>, vector<8x313x127xi32> -> vector<8x313x128xi32>
    %add3A = arith.addi %get3A_2, %concatenate3A : vector<8x313x128xi32>
    %broadcast_in_dim3A_4 = arith.constant 0 : i32
    %broadcast_in_dim3A_5 = vector.broadcast %broadcast_in_dim3A_4 : i32 to vector<8x313x2xi32>
    %slice3A_6 = vector.extract_strided_slice %add3A {offsets = [0, 0, 0], sizes = [8, 313, 126], strides = [1, 1, 1]} : vector<8x313x128xi32> to vector<8x313x126xi32>
    %concatenate3A_7 = tpu.concatenate %broadcast_in_dim3A_5, %slice3A_6 in 2 : vector<8x313x2xi32>, vector<8x313x126xi32> -> vector<8x313x128xi32>
    %add3A_8 = arith.addi %add3A, %concatenate3A_7 : vector<8x313x128xi32>
    %broadcast_in_dim3A_9 = arith.constant 0 : i32
    %broadcast_in_dim3A_10 = vector.broadcast %broadcast_in_dim3A_9 : i32 to vector<8x313x4xi32>
    %slice3A_11 = vector.extract_strided_slice %add3A_8 {offsets = [0, 0, 0], sizes = [8, 313, 124], strides = [1, 1, 1]} : vector<8x313x128xi32> to vector<8x313x124xi32>
    %concatenate3A_12 = tpu.concatenate %broadcast_in_dim3A_10, %slice3A_11 in 2 : vector<8x313x4xi32>, vector<8x313x124xi32> -> vector<8x313x128xi32>
    %add3A_13 = arith.addi %add3A_8, %concatenate3A_12 : vector<8x313x128xi32>
    %broadcast_in_dim3A_14 = arith.constant 0 : i32
    %broadcast_in_dim3A_15 = vector.broadcast %broadcast_in_dim3A_14 : i32 to vector<8x313x8xi32>
    %slice3A_16 = vector.extract_strided_slice %add3A_13 {offsets = [0, 0, 0], sizes = [8, 313, 120], strides = [1, 1, 1]} : vector<8x313x128xi32> to vector<8x313x120xi32>
    %concatenate3A_17 = tpu.concatenate %broadcast_in_dim3A_15, %slice3A_16 in 2 : vector<8x313x8xi32>, vector<8x313x120xi32> -> vector<8x313x128xi32>
    %add3A_18 = arith.addi %add3A_13, %concatenate3A_17 : vector<8x313x128xi32>
    %broadcast_in_dim3A_19 = arith.constant 0 : i32
    %broadcast_in_dim3A_20 = vector.broadcast %broadcast_in_dim3A_19 : i32 to vector<8x313x16xi32>
    %slice3A_21 = vector.extract_strided_slice %add3A_18 {offsets = [0, 0, 0], sizes = [8, 313, 112], strides = [1, 1, 1]} : vector<8x313x128xi32> to vector<8x313x112xi32>
    %concatenate3A_22 = tpu.concatenate %broadcast_in_dim3A_20, %slice3A_21 in 2 : vector<8x313x16xi32>, vector<8x313x112xi32> -> vector<8x313x128xi32>
    %add3A_23 = arith.addi %add3A_18, %concatenate3A_22 : vector<8x313x128xi32>
    %broadcast_in_dim3A_24 = arith.constant 0 : i32
    %broadcast_in_dim3A_25 = vector.broadcast %broadcast_in_dim3A_24 : i32 to vector<8x313x32xi32>
    %slice3A_26 = vector.extract_strided_slice %add3A_23 {offsets = [0, 0, 0], sizes = [8, 313, 96], strides = [1, 1, 1]} : vector<8x313x128xi32> to vector<8x313x96xi32>
    %concatenate3A_27 = tpu.concatenate %broadcast_in_dim3A_25, %slice3A_26 in 2 : vector<8x313x32xi32>, vector<8x313x96xi32> -> vector<8x313x128xi32>
    %add3A_28 = arith.addi %add3A_23, %concatenate3A_27 : vector<8x313x128xi32>
    %broadcast_in_dim3A_29 = arith.constant 0 : i32
    %broadcast_in_dim3A_30 = vector.broadcast %broadcast_in_dim3A_29 : i32 to vector<8x313x64xi32>
    %slice3A_31 = vector.extract_strided_slice %add3A_28 {offsets = [0, 0, 0], sizes = [8, 313, 64], strides = [1, 1, 1]} : vector<8x313x128xi32> to vector<8x313x64xi32>
    %concatenate3A_32 = tpu.concatenate %broadcast_in_dim3A_30, %slice3A_31 in 2 : vector<8x313x64xi32>, vector<8x313x64xi32> -> vector<8x313x128xi32>
    %add3A_33 = arith.addi %add3A_28, %concatenate3A_32 : vector<8x313x128xi32>
    %slice3A_34 = vector.extract_strided_slice %add3A_33 {offsets = [0, 0, 127], sizes = [8, 313, 1], strides = [1, 1, 1]} : vector<8x313x128xi32> to vector<8x313x1xi32>
    %squeeze3A = vector.shape_cast %slice3A_34 : vector<8x313x1xi32> to vector<8x313xi32>
    %broadcast_in_dim3A_35 = arith.constant 0 : i32
    %broadcast_in_dim3A_36 = vector.broadcast %broadcast_in_dim3A_35 : i32 to vector<8x1xi32>
    %slice3A_37 = vector.extract_strided_slice %squeeze3A {offsets = [0, 0], sizes = [8, 312], strides = [1, 1]} : vector<8x313xi32> to vector<8x312xi32>
    %concatenate3A_38 = tpu.concatenate %broadcast_in_dim3A_36, %slice3A_37 in 1 : vector<8x1xi32>, vector<8x312xi32> -> vector<8x313xi32>
    %add3A_39 = arith.addi %squeeze3A, %concatenate3A_38 : vector<8x313xi32>
    %broadcast_in_dim3A_40 = arith.constant 0 : i32
    %broadcast_in_dim3A_41 = vector.broadcast %broadcast_in_dim3A_40 : i32 to vector<8x2xi32>
    %slice3A_42 = vector.extract_strided_slice %add3A_39 {offsets = [0, 0], sizes = [8, 311], strides = [1, 1]} : vector<8x313xi32> to vector<8x311xi32>
    %concatenate3A_43 = tpu.concatenate %broadcast_in_dim3A_41, %slice3A_42 in 1 : vector<8x2xi32>, vector<8x311xi32> -> vector<8x313xi32>
    %add3A_44 = arith.addi %add3A_39, %concatenate3A_43 : vector<8x313xi32>
    %broadcast_in_dim3A_45 = arith.constant 0 : i32
    %broadcast_in_dim3A_46 = vector.broadcast %broadcast_in_dim3A_45 : i32 to vector<8x4xi32>
    %slice3A_47 = vector.extract_strided_slice %add3A_44 {offsets = [0, 0], sizes = [8, 309], strides = [1, 1]} : vector<8x313xi32> to vector<8x309xi32>
    %concatenate3A_48 = tpu.concatenate %broadcast_in_dim3A_46, %slice3A_47 in 1 : vector<8x4xi32>, vector<8x309xi32> -> vector<8x313xi32>
    %add3A_49 = arith.addi %add3A_44, %concatenate3A_48 : vector<8x313xi32>
    %broadcast_in_dim3A_50 = arith.constant 0 : i32
    %broadcast_in_dim3A_51 = vector.broadcast %broadcast_in_dim3A_50 : i32 to vector<8x8xi32>
    %slice3A_52 = vector.extract_strided_slice %add3A_49 {offsets = [0, 0], sizes = [8, 305], strides = [1, 1]} : vector<8x313xi32> to vector<8x305xi32>
    %concatenate3A_53 = tpu.concatenate %broadcast_in_dim3A_51, %slice3A_52 in 1 : vector<8x8xi32>, vector<8x305xi32> -> vector<8x313xi32>
    %add3A_54 = arith.addi %add3A_49, %concatenate3A_53 : vector<8x313xi32>
    %broadcast_in_dim3A_55 = arith.constant 0 : i32
    %broadcast_in_dim3A_56 = vector.broadcast %broadcast_in_dim3A_55 : i32 to vector<8x16xi32>
    %slice3A_57 = vector.extract_strided_slice %add3A_54 {offsets = [0, 0], sizes = [8, 297], strides = [1, 1]} : vector<8x313xi32> to vector<8x297xi32>
    %concatenate3A_58 = tpu.concatenate %broadcast_in_dim3A_56, %slice3A_57 in 1 : vector<8x16xi32>, vector<8x297xi32> -> vector<8x313xi32>
    %add3A_59 = arith.addi %add3A_54, %concatenate3A_58 : vector<8x313xi32>
    %broadcast_in_dim3A_60 = arith.constant 0 : i32
    %broadcast_in_dim3A_61 = vector.broadcast %broadcast_in_dim3A_60 : i32 to vector<8x32xi32>
    %slice3A_62 = vector.extract_strided_slice %add3A_59 {offsets = [0, 0], sizes = [8, 281], strides = [1, 1]} : vector<8x313xi32> to vector<8x281xi32>
    %concatenate3A_63 = tpu.concatenate %broadcast_in_dim3A_61, %slice3A_62 in 1 : vector<8x32xi32>, vector<8x281xi32> -> vector<8x313xi32>
    %add3A_64 = arith.addi %add3A_59, %concatenate3A_63 : vector<8x313xi32>
    %broadcast_in_dim3A_65 = arith.constant 0 : i32
    %broadcast_in_dim3A_66 = vector.broadcast %broadcast_in_dim3A_65 : i32 to vector<8x64xi32>
    %slice3A_67 = vector.extract_strided_slice %add3A_64 {offsets = [0, 0], sizes = [8, 249], strides = [1, 1]} : vector<8x313xi32> to vector<8x249xi32>
    %concatenate3A_68 = tpu.concatenate %broadcast_in_dim3A_66, %slice3A_67 in 1 : vector<8x64xi32>, vector<8x249xi32> -> vector<8x313xi32>
    %add3A_69 = arith.addi %add3A_64, %concatenate3A_68 : vector<8x313xi32>
    %broadcast_in_dim3A_70 = arith.constant 0 : i32
    %broadcast_in_dim3A_71 = vector.broadcast %broadcast_in_dim3A_70 : i32 to vector<8x128xi32>
    %slice3A_72 = vector.extract_strided_slice %add3A_69 {offsets = [0, 0], sizes = [8, 185], strides = [1, 1]} : vector<8x313xi32> to vector<8x185xi32>
    %concatenate3A_73 = tpu.concatenate %broadcast_in_dim3A_71, %slice3A_72 in 1 : vector<8x128xi32>, vector<8x185xi32> -> vector<8x313xi32>
    %add3A_74 = arith.addi %add3A_69, %concatenate3A_73 : vector<8x313xi32>
    %broadcast_in_dim3A_75 = arith.constant 0 : i32
    %broadcast_in_dim3A_76 = vector.broadcast %broadcast_in_dim3A_75 : i32 to vector<8x256xi32>
    %slice3A_77 = vector.extract_strided_slice %add3A_74 {offsets = [0, 0], sizes = [8, 57], strides = [1, 1]} : vector<8x313xi32> to vector<8x57xi32>
    %concatenate3A_78 = tpu.concatenate %broadcast_in_dim3A_76, %slice3A_77 in 1 : vector<8x256xi32>, vector<8x57xi32> -> vector<8x313xi32>
    %add3A_79 = arith.addi %add3A_74, %concatenate3A_78 : vector<8x313xi32>
    %broadcast_in_dim3A_80 = arith.constant 0 : i32
    %broadcast_in_dim3A_81 = vector.broadcast %broadcast_in_dim3A_80 : i32 to vector<8x1xi32>
    %slice3A_82 = vector.extract_strided_slice %add3A_79 {offsets = [0, 0], sizes = [8, 312], strides = [1, 1]} : vector<8x313xi32> to vector<8x312xi32>
    %concatenate3A_83 = tpu.concatenate %broadcast_in_dim3A_81, %slice3A_82 in 1 : vector<8x1xi32>, vector<8x312xi32> -> vector<8x313xi32>
    %broadcast_in_dim3A_84 = vector.shape_cast %concatenate3A_83 : vector<8x313xi32> to vector<8x313x1xi32>
    %add3A_85 = vector.broadcast %broadcast_in_dim3A_84 : vector<8x313x1xi32> to vector<8x313x128xi32>
    %add3A_86 = arith.addi %add3A_33, %add3A_85 : vector<8x313x128xi32>
    %min3A = arith.constant 39999 : i32
    %min3A_87 = vector.broadcast %min3A : i32 to vector<8x313x128xi32>
    %min3A_88 = arith.minsi %add3A_86, %min3A_87 : vector<8x313x128xi32>
    %swap3A = arith.constant 0 : index
    %swap3A_89 = arith.constant 0 : index
    %swap3A_90 = arith.constant 0 : index
    %swap3A_91 = vector.load %arg2[%swap3A, %swap3A_89, %swap3A_90] : memref<8x313x128xi32, #tpu.memory_space<vmem>>, vector<8x313x128xi32>
    tpu.vector_store %arg2[%swap3A, %swap3A_89, %swap3A_90], %min3A_88 {strides = array<i32>} : memref<8x313x128xi32, #tpu.memory_space<vmem>>, vector<8x313x128xi32>,
    return
  }
  func.func @transform_0(%arg0: i32) -> (i32, i32, i32) {
    %c0_i32 = arith.constant 0 : i32
    %c0_i32_0 = arith.constant 0 : i32
    %c0_i32_1 = arith.constant 0 : i32
    return %arg0, %c0_i32, %c0_i32_0 : i32, i32, i32
  }
  func.func @transform_1(%arg0: i32) -> (i32, i32, i32) {
    %c0_i32 = arith.constant 0 : i32
    %c0_i32_0 = arith.constant 0 : i32
    %c0_i32_1 = arith.constant 0 : i32
    return %arg0, %c0_i32, %c0_i32_0 : i32, i32, i32
  }
}

module attributes {stable_mosaic.version = 14 : i64} {
  func.func @_noise_body(%arg0: i32, %arg1: memref<8x120064xf32, #tpu.memory_space<vmem>>, %arg2: memref<8x120000xf32, #tpu.memory_space<vmem>>, %arg3: memref<8x120000xf32, #tpu.memory_space<vmem>>) attributes {dimension_semantics = [#tpu.dimension_semantics<arbitrary>], iteration_bounds = array<i64: 16>, scalar_prefetch = 0 : i64, scratch_operands = 0 : i64, tpu.core_type = #tpu.core_type<tc>, window_params = [{transform_indices = @transform_0, window_bounds = array<i64: 8, 120064>}, {transform_indices = @transform_1, window_bounds = array<i64: 8, 120000>}, {transform_indices = @transform_2, window_bounds = array<i64: 8, 120000>}]} {
    %get3A = arith.constant 0 : index
    %get3A_0 = arith.constant 0 : index
    %get3A_1 = vector.load %arg1[%get3A, %get3A_0] : memref<8x120064xf32, #tpu.memory_space<vmem>>, vector<8x120000xf32>
    %get3A_2 = arith.constant 0 : index
    %get3A_3 = arith.constant 0 : index
    %get3A_4 = vector.load %arg2[%get3A_2, %get3A_3] : memref<8x120000xf32, #tpu.memory_space<vmem>>, vector<8x120000xf32>
    %mul3A = arith.constant 1.000000e-01 : f32
    %mul3A_5 = vector.broadcast %mul3A : f32 to vector<8x120000xf32>
    %mul3A_6 = arith.mulf %mul3A_5, %get3A_4 : vector<8x120000xf32>
    %add3A = arith.addf %get3A_1, %mul3A_6 : vector<8x120000xf32>
    %swap3A = arith.constant 0 : index
    %swap3A_7 = arith.constant 0 : index
    %swap3A_8 = vector.load %arg3[%swap3A, %swap3A_7] : memref<8x120000xf32, #tpu.memory_space<vmem>>, vector<8x120000xf32>
    tpu.vector_store %arg3[%swap3A, %swap3A_7], %add3A {strides = array<i32>} : memref<8x120000xf32, #tpu.memory_space<vmem>>, vector<8x120000xf32>,
    return
  }
  func.func @transform_0(%arg0: i32) -> (i32, i32) {
    %c0_i32 = arith.constant 0 : i32
    %c0_i32_0 = arith.constant 0 : i32
    return %arg0, %c0_i32 : i32, i32
  }
  func.func @transform_1(%arg0: i32) -> (i32, i32) {
    %c0_i32 = arith.constant 0 : i32
    %c0_i32_0 = arith.constant 0 : i32
    return %arg0, %c0_i32 : i32, i32
  }
  func.func @transform_2(%arg0: i32) -> (i32, i32) {
    %c0_i32 = arith.constant 0 : i32
    %c0_i32_0 = arith.constant 0 : i32
    return %arg0, %c0_i32 : i32, i32
  }
}

</mosaic_0001>

<sc_bundles>
// kernel: kernel.12.cloned.1.call-start
scs
__scs_entry_jumppad:
0x0: {  	(pc) =	sbr.rel $0x88, $3  }
0x1: {  	(tag) =	ssettag $0x0;
	lr =	simm.s32 $0x1  }
0x2: {  	[smem:$0x3F9D] =	sst lr;
	_ =	strace $0xD0000000  }
0x3: {  	_ = 	snop  }
0x4: {  	_ = 	snop  }
0x5: {  	_ = 	snop  }
0x6: {  	_ = 	snop  }
0x7: {  	_ = 	snop  }
__scs_overlays_trampoline_lowered:
0x8: {  	[smem:$0x3FAC] =	sst s0  }
0x9: {  	[smem:$0x3FAD] =	sst s1  }
0xa: {  	[smem:$0x3FAE] =	sst s2  }
0xb: {  	[smem:$0x3FAF] =	sst s3  }
0xc: {  	[smem:$0x3FB0] =	sst s4  }
0xd: {  	[smem:$0x3FB1] =	sst s5  }
0xe: {  	[smem:$0x3FB2] =	sst s6  }
0xf: {  	[smem:$0x3FB3] =	sst s7  }
0x10: {  	[smem:$0x3FB4] =	sst s8  }
0x11: {  	[smem:$0x3FB5] =	sst s9;
	s0 =	simm.s32 @!p0 $0x0  }
0x12: {  	s1 =	sld [smem:$0x3F9B];
	s0 =	simm.s32 @p0 $0x1  }
0x13: {  	[smem:$0x3FB6] =	sst s0;
	s0 =	simm.s32 @!p1 $0x0  }
0x14: {  	s2 =	sld [smem:$0x3F9A];
	s0 =	simm.s32 @p1 $0x1  }
0x15: {  	[smem:$0x3FB7] =	sst s0;
	s0 =	simm.s32 @!p2 $0x0  }
0x16: {  	s3 =	sld [smem:$0x3FDB];
	s0 =	simm.s32 @p2 $0x1  }
0x17: {  	s4 =	simm.s32 $0x1BF5;
	[smem:$0x3FB9] =	sst s0  }
0x18: {  	s0 =	sld [smem:$0x3F9C];
	_ =	swait.ge [sflag:s4], $0x0  }
0x19: {  	s7 =	sld [smem:$0x3F9D]  }
0x1a: {  	s8 =	sadd.s32 $0xFFFFE003, lr  }
0x1b: {  	s9 =	sadd.s32 $0xFFFFFEF7, lr;
	s5 =	simm.s32 $0xFFFFFFFF;
	p2 =	slt.u32 s8, $0xFFFFF086  }
0x1c: {  	p1 =	slt.u32 s9, $0xF7A;
	s5 =	simm.s32 @!p2 $0x0  }
0x1d: {  	s5 =	simm.s32 @p1 $0x1;
	p0 =	seq.s32 s7, s2  }
0x1e: {  	s7 =	smul.u32 @!p0 $0xF7A, s2;
	p2 =	seq.s32 @!p0 s5, $0x0  }
0x1f: {  	s9 =	smul.u32 $0xF7A, s1;
	s8 =	simm.s32 @!p0 $0x1BF5;
	p2 =	por !p2, p0  }
0x20: {  	[sflag:s8] =	ssyncset.s32 @!p0 $0xFFFFF086;
	s6 =	sadd.s32 @!p0 s3, s7;
	s7 =	simm.s32 @!p0 $0x108  }
0x21: {  	s3 =	sadd.s32 s3, s9;
	s6 =	sadd.s32 @!p0 $0x88, s6;
	s7 =	simm.s32 @p2 $0x1082  }
0x22: {  	[simem:s7], [sflag:s8] =	dma.local @!p0 [hbm:s6], $0xF7A  }
0x23: {  	s9 =	sor.u32 $0xD0000000, s2;
	s6 =	simm.s32 $0x108;
	_ =	swait.ge @!p0 [sflag:s8], $0x0  }
0x24: {  	s3 =	sadd.s32 $0x88, s3;
	s6 =	simm.s32 @!p1 $0x1082;
	[sflag:s4] =	ssyncset.s32 $0xFFFFF086  }
0x25: {  	[simem:s6], [sflag:s4] =	dma.local [hbm:s3], $0xF7A  }
0x26: {  	[smem:$0x3F9D] =	sst s1;
	(tag) =	ssettag s2;
	_ =	strace s9  }
0x27: {  	s1 =	sld [smem:$0x3FAD]  }
0x28: {  	s2 =	sld [smem:$0x3FAE]  }
0x29: {  	s4 =	sld [smem:$0x3FB0]  }
0x2a: {  	p0 =	seq.s32 s5, $0x0;
	s5 =	sld [smem:$0x3FB1]  }
0x2b: {  	s6 =	sld [smem:$0x3FB2]  }
0x2c: {  	s7 =	sld [smem:$0x3FB3]  }
0x2d: {  	s3 =	simm.s32 $0x108;
	s8 =	sld [smem:$0x3FB4]  }
0x2e: {  	s3 =	simm.s32 @!p0 $0x1082;
	s9 =	sld [smem:$0x3FB5]  }
0x2f: {  	lr =	sadd.s32 s0, s3;
	s0 =	sld [smem:$0x3FAC]  }
0x30: {  	s3 =	sld [smem:$0x3FAF]  }
0x31: {  	[smem:$0x3FB8] =	sst s10  }
0x32: {  	s10 =	sld [smem:$0x3FB6];
	_ =	sdelay $0x3  }
0x33: {  	p0 =	seq.s32 s10, $0x1;
	s10 =	sld [smem:$0x3FB8];
	_ =	sdelay $0x3  }
0x34: {  	[smem:$0x3FB8] =	sst s10  }
0x35: {  	s10 =	sld [smem:$0x3FB7];
	_ =	sdelay $0x3  }
0x36: {  	p1 =	seq.s32 s10, $0x1;
	s10 =	sld [smem:$0x3FB8];
	_ =	sdelay $0x3  }
0x37: {  	[smem:$0x3FB8] =	sst s10  }
0x38: {  	s10 =	sld [smem:$0x3FB9]  }
0x39: {  	_ = 	snop;
	(pc) =	sbr.ind lr, $3  }
0x3a: {  	_ = 	snop  }
0x3b: {  	_ = 	snop  }
0x3c: {  	p2 =	seq.s32 s10, $0x1;
	s10 =	sld [smem:$0x3FB8]  }
0x3d: {  	_ =	shalt  }
0x3e: {  	_ =	shalt  }
0x3f: {  	_ =	shalt  }
0x40: {  	_ =	shalt  }
0x41: {  	_ =	shalt  }
0x42: {  	_ =	shalt  }
0x43: {  	_ =	shalt  }
0x44: {  	_ =	shalt  }
0x45: {  	_ =	shalt  }
0x46: {  	_ =	shalt  }
0x47: {  	_ =	shalt  }
0x48: {  	_ =	shalt  }
0x49: {  	_ =	shalt  }
0x4a: {  	_ =	shalt  }
0x4b: {  	_ =	shalt  }
0x4c: {  	_ =	shalt  }
0x4d: {  	_ =	shalt  }
0x4e: {  	_ =	shalt  }
0x4f: {  	_ =	shalt  }
0x50: {  	_ =	shalt  }
0x51: {  	_ =	shalt  }
0x52: {  	_ =	shalt  }
0x53: {  	_ =	shalt  }
0x54: {  	_ =	shalt  }
0x55: {  	_ =	shalt  }
0x56: {  	_ =	shalt  }
0x57: {  	_ =	shalt  }
0x58: {  	_ =	shalt  }
0x59: {  	_ =	shalt  }
0x5a: {  	_ =	shalt  }
0x5b: {  	_ =	shalt  }
0x5c: {  	_ =	shalt  }
0x5d: {  	_ =	shalt  }
0x5e: {  	_ =	shalt  }
0x5f: {  	_ =	shalt  }
0x60: {  	_ =	shalt  }
0x61: {  	_ =	shalt  }
0x62: {  	_ =	shalt  }
0x63: {  	_ =	shalt  }
0x64: {  	_ =	shalt  }
0x65: {  	_ =	shalt  }
0x66: {  	_ =	shalt  }
0x67: {  	_ =	shalt  }
0x68: {  	_ =	shalt  }
0x69: {  	_ =	shalt  }
0x6a: {  	_ =	shalt  }
0x6b: {  	_ =	shalt  }
0x6c: {  	_ =	shalt  }
0x6d: {  	_ =	shalt  }
0x6e: {  	_ =	shalt  }
0x6f: {  	_ =	shalt  }
0x70: {  	_ =	shalt  }
0x71: {  	_ =	shalt  }
0x72: {  	_ =	shalt  }
0x73: {  	_ =	shalt  }
0x74: {  	_ =	shalt  }
0x75: {  	_ =	shalt  }
0x76: {  	_ =	shalt  }
0x77: {  	_ =	shalt  }
0x78: {  	_ =	shalt  }
0x79: {  	_ =	shalt  }
0x7a: {  	_ =	shalt  }
0x7b: {  	_ =	shalt  }
0x7c: {  	_ =	shalt  }
0x7d: {  	_ =	shalt  }
0x7e: {  	_ =	shalt  }
0x7f: {  	_ =	shalt  }
0x80: {  	_ =	shalt  }
0x81: {  	_ =	shalt  }
0x82: {  	_ =	shalt  }
0x83: {  	_ =	shalt  }
0x84: {  	_ =	shalt  }
0x85: {  	_ =	shalt  }
0x86: {  	_ =	shalt  }
0x87: {  	_ =	shalt  }
.Lfunc_end0:
.L_simem_size_0:
called_computation.3_lowered:
.L_overlay_start_0:
0x88: {  	s2 =	sld [smem:$0x3FD9]  }
0x89: {  	s3 =	sld [smem:$0x3FFE];
	_ =	sdelay $0x1  }
0x8a: {  	s1 =	srdreg.scid  }
0x8b: {  	s0 =	sand.u32 $0x1, s1  }
0x8c: {  	s16 =	sshll.u32 s0, $0xA;
	s2 =	sadd.s32 s3, s2  }
0x8d: {  	s2 =	sadd.s32 s2, s16  }
0x8e: {  	[smem:$0x3FC4] =	sst s2  }
0x8f: {  	_ = 	snop  }
0x90: {  	(tm) =	ssettm $0x1  }
0x91: {  	s17 =	sld [smem:$0x3FFB];
	_ =	sdelay $0x3  }
0x92: {  	_ =	strace s17  }
0x93: {  	s2 =	sld [smem:$0x3FFC];
	_ =	sdelay $0x3  }
0x94: {  	_ =	strace s2  }
0x95: {  	s2 =	sld [smem:$0x3FFD];
	_ =	sdelay $0x3  }
0x96: {  	_ =	strace s2  }
0x97: {  	_ =	strace $0x8FFFFFFF  }
0x98: {  	s18 =	sld [smem:$0x3FDB];
	_ =	sdelay $0x1  }
0x99: {  	s19 =	simm.s32 $_scs_section_size  }
0x9a: {  	s4 =	simm.s32 $_size__tile_overlayer_lowered;
	s5 =	simm.s32 $_tile_overlayer_lowered  }
0x9b: {  	s22 =	simm.s32 $0x1BFF;
	s21 =	sshll.u32 s5, $0x1;
	s2 =	sadd.s32 s19, s18  }
0x9c: {  	s6 =	simm.s32 $0x0;
	s20 =	sshll.u32 s4, $0x1;
	s4 =	sadd.s32 s21, s2  }
0x9d: {  	[timem:s6], [sflag:s22] =	dma.local [hbm:s4], s20  }
0x9e: {  	_ =	swait.ge [sflag:s22], s20  }
0x9f: {  	s3 =	ssub.s32 $0x0, s20;
	[sflag:s22] =	ssyncset.done $0x0  }
0xa0: {  	[sflag:s22] =	ssyncadd.s32 s3;
	_ =	sdelay $0x1  }
0xa1: {  	s23 =	simm.s32 $0x1B8B  }
0xa2: {  	_ =	swait.ge [sflag:s23], $0x1  }
0xa3: {  	[sflag:s23] =	ssyncset.done $0x0  }
0xa4: {  	s25 =	simm.s32 $0x1B8E;
	s24 =	sld [smem:$0x3FFE];
	[sflag:s23] =	ssyncadd.s32 $0xFFFFFFFF  }
0xa5: {  	s26 =	simm.s32 $execute0_lowered;
	[smem:$0x3FD2] =	sst s25  }
0xa6: {  	s4 =	sshll.u32 s26, $0x1;
	_ =	strace $0x8000004C;
	[dreg:$0x1] =	wrdreg $0xFFFFFFFF  }
0xa7: {  	s28 =	simm.s32 $_size_execute0_lowered;
	s2 =	sadd.s32 s2, s4;
	[dreg:$0x0] =	wrdreg $0x0  }
0xa8: {  	s4 =	sshll.u32 s28, $0x1;
	[dreg:$0x2] =	wrdreg s2  }
0xa9: {  	[dreg:$0x3] =	wrdreg s4  }
0xaa: {  	[dreg:$0x4] =	wrdreg $0xC0  }
0xab: {  	_ =	task [dreg:s6], $0x5FFFF  }
0xac: {  	[dreg:$0x1] =	wrdreg $0xFFFFFFFF  }
0xad: {  	[dreg:$0x0] =	wrdreg $0x60  }
0xae: {  	[dreg:$0x2] =	wrdreg s24  }
0xaf: {  	[dreg:$0x3] =	wrdreg $0x9  }
0xb0: {  	_ =	task.clear_ibuf [dreg:s6], $0x4FFFF;
	_ =	strace $0x9000004C  }
0xb1: {  	s29 =	simm.s32 $0x9;
	_ =	strace $0x8000004E  }
0xb2: {  	_ =	swait.ge [sflag:s29], $0x1  }
0xb3: {  	[sflag:s29] =	ssyncadd.s32 $0xFFFFFFFF  }
0xb4: {  	_ =	strace $0x9000004E  }
0xb5: {  	_ =	sfence  }
0xb6: {  	s30 =	sld [smem:$0x0];
	_ =	sdelay $0x2  }
0xb7: {  	s31 =	sshll.u32 s1, $0xD;
	s1 =	sshrl.u32 s1, $0x2  }
0xb8: {  	s3 =	sand.u32 $0x4000, s31;
	s1 =	sadd.s32 s1, s30  }
0xb9: {  	s0 =	sor.u32 s3, s0;
	s1 =	sshll.u32 s1, $0x11  }
0xba: {  	s0 =	sor.u32 s1, s0  }
0xbb: {  	s0 =	sadd.s32 $0x8F2B, s0  }
0xbc: {  	[sflag:s0] =	ssyncadd.remote.s32 $0x1  }
0xbd: {  	_ =	sfence.sel $0xFFFF  }
0xbe: {  	[dreg:$0x0] =	wrdreg $0xFFFFFFFF;
	(pc) =	sbr.abs _section_cstart, $3  }
0xbf: {  	[dreg:$0x1] =	wrdreg $0xFFFFFFFF  }
0xc0: {  	_ =	task.clear_ibuf [dreg:s6], $0x2FFFF;
	_ =	strace $0x9FFFFFFF  }
0xc1: {  	(tm) =	ssettm $0x7FFFFFFF  }
tec
execute0_lowered:
.L_overlay_start_1:
0x0: {  	(tag) =	ssettag $0x1  }
0x1: {  	s6 =	rddreg [dreg:$0x0]  }
0x2: {  	s0 =	rddreg [dreg:$0x1];
	s2 =	simm.s32 $0x0;
	s3 =	srdreg.scid  }
0x3: {  	s1 =	stileid.u32;
	s10 =	simm.s32 $0x400;
	s11 =	simm.s32 $0x1  }
0x4: {  	s12 =	simm.s32 $0x1D500;
	s13 =	simm.s32 $0x1DF00;
	s14 =	simm.s32 $0x0  }
0x5: {  	[smem:$0x7FF] =	sst s2;
	s5 =	sand.u32 $0x1, s3;
	s3 =	sshll.u32 s1, $0x1  }
0x6: {  	v0 =	vlaneseq.u32;
	s4 =	sadd.s32 $0x1400, s6;
	_ =	strace $0x8000004D;
	s7 =	ssub.s32 $0x2, s5  }
0x7: {  	v0 =	vmul.u32 $0x3, v0;
	s9 =	sor.u32 s5, s3;
	s5 =	sadd.s32 $0x3ABC00, s6;
	s8 =	sshrl.u32 s7, $0x1  }
0x8: {  	s6 =	sadd.s32 $0x9DC00, s6;
	s31 =	sshll.u32 s9, $0x7;
	s8 =	ssub.s32 s7, s8  }
0x9: {  	s9 =	simm.s32 $0x80;
	v1 =	vadd.s32 $0x1, v0;
	v2 =	vadd.s32 $0x2, v0;
	s7 =	sand.u32 $0x380, s31;
	s8 =	smax.u32 s8, $0x1  }
.LBB2_1:
0xa: {  	s15 =	simm.s32 $0x0  }
.LBB2_2:
0xb: {  	s16 =	sshll.u32 s15, $0x5  }
0xc: {  	s16 =	sor.u32 s3, s16  }
0xd: {  	s16 =	sshrl.u32 s16, $0x3  }
0xe: {  	s17 =	smul.u32 $0xEA800, s16;
	_ =	sdelay $0x1  }
0xf: {  	s16 =	smul.u32 $0x4E400, s16;
	s17 =	sor.u32 s7, s17  }
0x10: {  	s19 =	sshrl.u32 s17, $0x3  }
0x11: {  	s16 =	sor.u32 s7, s16;
	s17 =	simm.s32 $0x0;
	s18 =	sadd.s32 s5, s19  }
0x12: {  	[tilespmem:s17], [sflag:$0x1] =	stream.strided.gather [hbm4b:s18+s9], $0x1D500, s10, s9, $0x38;
	[tilespmem:$0x1FD00] =	vst v63  }
0x13: {  	s16 =	sshrl.u32 s16, $0x3;
	_ =	swait.ge [sflag:s11], $0x1D500  }
0x14: {  	s18 =	sadd.s32 s4, s16;
	[sflag:s11] =	ssyncset.done $0x0  }
0x15: {  	s16 =	sadd.s32 s6, s19;
	s19 =	simm.s32 $0x0;
	[sflag:s11] =	ssyncadd.s32 $0xFFFE2B00  }
.LBB2_3:
0x16: {  	s20 =	smul.u32 $0xA00, s19;
	_ =	sdelay $0x1  }
0x17: {  	s20 =	sadd.s32 s20, s18  }
0x18: {  	[tilespmem:s12], [sflag:$0x1] =	stream.strided.gather [hbm4b:s20+s9], $0xA00, s10, s9, $0x38;
	[tilespmem:$0x1FD00] =	vst v63  }
0x19: {  	_ =	swait.ge [sflag:s11], $0xA00  }
0x1a: {  	[sflag:s11] =	ssyncset.done $0x0  }
0x1b: {  	s23 =	simm.s32 $0x1D520;
	[sflag:s11] =	ssyncadd.s32 $0xFFFFF600  }
0x1c: {  	v3 =	vld [tilespmem:s23+$0x10]  }
0x1d: {  	v4 =	vld [tilespmem:s23+$0xFFFFFFF0]  }
0x1e: {  	v5 =	vld [tilespmem:s23+$0x0]  }
0x1f: {  	v6 =	vld [tilespmem:s23+$0xFFFFFFE0];
	_ =	sdelay $0x1  }
0x20: {  	s24 =	simm.s32 $0x30;
	v7 =	vmul.u32 $0x3, v3  }
0x21: {  	s26 =	simm.s32 $0x20;
	v3 =	vmov s24  }
0x22: {  	s25 =	simm.s32 $0x10;
	v14 =	vmov s26;
	v4 =	vmul.u32 $0x3, v4;
	v3 =	vmul.u32 $0x3, v3  }
0x23: {  	s28 =	simm.s32 $0x1D560;
	v5 =	vmul.u32 $0x3, v5;
	v8 =	vmul.u32 $0x3, v6;
	v6 =	vmov s25  }
0x24: {  	v17 =	vld [tilespmem:s28+$0x10];
	v6 =	vmul.u32 $0x3, v6;
	v10 =	vbroadcast v3, $0x0;
	v3 =	vmov s17  }
0x25: {  	v14 =	vmul.u32 $0x3, v14;
	v18 =	vld [tilespmem:s28+$0xFFFFFFF0];
	v3 =	vmul.u32 $0x3, v3  }
0x26: {  	v6 =	vbroadcast v6, $0x0;
	v11 =	vadd.s32 v0, v10;
	v9 =	vld.idx.msk [tilespmem:v7+s2+$0x0], $0xffff  }
0x27: {  	v24 =	vld [tilespmem:s28+$0x0];
	v13 =	vadd.s32 $0x1, v7;
	v19 =	vbroadcast v3, $0x0;
	v3 =	vbroadcast v14, $0x0  }
0x28: {  	v20 =	vadd.s32 v0, v6;
	v12 =	vld.idx.msk [tilespmem:v4+s2+$0x0], $0xffff  }
0x29: {  	v22 =	vadd.s32 $0x1, v4;
	v15 =	vld.idx.msk [tilespmem:v5+s2+$0x0], $0xffff;
	v23 =	vadd.s32 v0, v3  }
0x2a: {  	v25 =	vadd.s32 $0x1, v5;
	v16 =	vld.idx.msk [tilespmem:v8+s2+$0x0], $0xffff;
	v14 =	vor.u32 v0, v19  }
0x2b: {  	v27 =	vld [tilespmem:s28+$0xFFFFFFE0];
	[tilespmem:v11+s13+$0x0] =	vst.idx.msk $0xffff, v9;
	v11 =	vadd.s32 $0x1, v8  }
0x2c: {  	v26 =	vadd.s32 v1, v10;
	v21 =	vld.idx.msk [tilespmem:v13+s2+$0x0], $0xffff  }
0x2d: {  	s21 =	simm.s32 $0x50;
	v28 =	vadd.s32 $0x2, v8;
	v7 =	vadd.s32 $0x2, v7;
	v8 =	vmul.u32 $0x3, v18;
	[tilespmem:v20+s13+$0x0] =	vst.idx.msk $0xffff, v12  }
0x2e: {  	s30 =	simm.s32 $0x60;
	v9 =	vadd.s32 $0x2, v4;
	v4 =	vmov s21;
	v13 =	vmul.u32 $0x3, v17;
	v22 =	vld.idx.msk [tilespmem:v22+s2+$0x0], $0xffff;
	[tilespmem:v23+s13+$0x0] =	vst.idx.msk $0xffff, v15  }
0x2f: {  	s31 =	simm.s32 $0x70;
	[tilespmem:v14+s13+$0x0] =	vst.idx.msk $0xffff, v16;
	v14 =	vmov s30;
	v23 =	vmul.u32 $0x3, v24;
	v24 =	vadd.s32 v1, v6;
	v29 =	vld.idx.msk [tilespmem:v25+s2+$0x0], $0xffff  }
0x30: {  	v17 =	vor.u32 v1, v19;
	v15 =	vmov s31;
	v25 =	vmul.u32 $0x3, v14;
	v11 =	vld.idx.msk [tilespmem:v11+s2+$0x0], $0xffff  }
0x31: {  	v14 =	vmul.u32 $0x3, v15;
	[tilespmem:v26+s13+$0x0] =	vst.idx.msk $0xffff, v21;
	v26 =	vmul.u32 $0x3, v27;
	v27 =	vadd.s32 v1, v3  }
0x32: {  	s29 =	simm.s32 $0x40;
	v4 =	vmul.u32 $0x3, v4  }
0x33: {  	v31 =	vadd.s32 v2, v10;
	v12 =	vmov s29;
	v14 =	vbroadcast v14, $0x0;
	v21 =	vld.idx.msk [tilespmem:v8+s2+$0x0], $0xffff  }
0x34: {  	v32 =	vmul.u32 $0x3, v12;
	v19 =	vor.u32 v2, v19;
	v4 =	vbroadcast v4, $0x0;
	v30 =	vld.idx.msk [tilespmem:v7+s2+$0x0], $0xffff;
	[tilespmem:v24+s13+$0x0] =	vst.idx.msk $0xffff, v22  }
0x35: {  	v16 =	vadd.s32 $0x1, v8;
	v15 =	vadd.s32 $0x1, v23;
	v20 =	vld.idx.msk [tilespmem:v13+s2+$0x0], $0xffff;
	v24 =	vadd.s32 v0, v14;
	[tilespmem:v17+s13+$0x0] =	vst.idx.msk $0xffff, v11  }
0x36: {  	v10 =	vbroadcast v25, $0x0;
	v25 =	vadd.s32 v0, v4;
	v22 =	vld.idx.msk [tilespmem:v23+s2+$0x0], $0xffff;
	[tilespmem:v27+s13+$0x0] =	vst.idx.msk $0xffff, v29;
	v27 =	vadd.s32 $0x1, v13  }
0x37: {  	v7 =	vadd.s32 $0x2, v8;
	v8 =	vadd.s32 $0x2, v23;
	v11 =	vbroadcast v32, $0x0;
	v18 =	vld.idx.msk [tilespmem:v28+s2+$0x0], $0xffff  }
0x38: {  	s21 =	simm.s32 $0x1D5A0;
	v12 =	vadd.s32 $0x2, v26;
	v17 =	vadd.s32 $0x1, v26;
	v23 =	vld.idx.msk [tilespmem:v26+s2+$0x0], $0xffff;
	v26 =	vadd.s32 v0, v10  }
0x39: {  	s22 =	simm.s32 $0xC0;
	s20 =	simm.s32 $0x80;
	v5 =	vadd.s32 $0x2, v5;
	v29 =	vld [tilespmem:s21+$0x10];
	[tilespmem:v31+s13+$0x0] =	vst.idx.msk $0xffff, v30;
	v28 =	vor.u32 v0, v11  }
.LBB2_4:
0x3a: {  	p0 =	slt.u32 s22, $0x9C0;
	v30 =	vld [tilespmem:s21+$0xFFFFFFF0];
	s23 =	sadd.s32 $0x10, s20;
	[tilespmem:v24+s13+$0x0] =	vst.idx.msk $0xffff, v20  }
0x3b: {  	v20 =	vmov s23;
	[tilespmem:v25+s13+$0x0] =	vst.idx.msk $0xffff, v21;
	v21 =	vld.idx.msk [tilespmem:v27+s2+$0x0], $0xffff  }
0x3c: {  	s23 =	sadd.s32 $0x20, s20;
	v25 =	vadd.s32 v1, v14;
	v20 =	vmul.u32 $0x3, v20;
	v24 =	vld [tilespmem:s21+$0x0];
	[tilespmem:v19+s13+$0x0] =	vst.idx.msk $0xffff, v18  }
0x3d: {  	v19 =	vmov s20;
	v27 =	vmov s23;
	v18 =	vld [tilespmem:s21+$0xFFFFFFE0];
	[tilespmem:v26+s13+$0x0] =	vst.idx.msk $0xffff, v22;
	v22 =	vadd.s32 $0x2, v13  }
0x3e: {  	v26 =	vmul.u32 $0x3, v27;
	v20 =	vbroadcast v20, $0x0;
	v13 =	vmul.u32 $0x3, v29;
	[tilespmem:v28+s13+$0x0] =	vst.idx.msk $0xffff, v23;
	v23 =	vld.idx.msk [tilespmem:v16+s2+$0x0], $0xffff  }
0x3f: {  	s23 =	sadd.s32 $0x30, s20;
	s20 =	smov.u32 s22;
	v29 =	vor.u32 v1, v11;
	v27 =	vmul.u32 $0x3, v30;
	v28 =	vld.idx.msk [tilespmem:v17+s2+$0x0], $0xffff;
	v30 =	vadd.s32 v1, v4  }
0x40: {  	v32 =	vadd.s32 v1, v10;
	v33 =	vadd.s32 v2, v6;
	v6 =	vmovc v4;
	v17 =	vmov s23;
	v31 =	vld.idx.msk [tilespmem:v15+s2+$0x0], $0xffff;
	v4 =	vmovc v20  }
0x41: {  	v17 =	vmul.u32 $0x3, v17;
	v16 =	vadd.s32 $0x1, v27;
	v34 =	vmul.u32 $0x3, v24;
	[tilespmem:v25+s13+$0x0] =	vst.idx.msk $0xffff, v21;
	v35 =	vld.idx.msk [tilespmem:v9+s2+$0x0], $0xffff;
	v9 =	vmovc v7  }
0x42: {  	v38 =	vadd.s32 v2, v3;
	v3 =	vmovc v10;
	v7 =	vadd.s32 $0x2, v27;
	v36 =	vmul.u32 $0x3, v18;
	v37 =	vld.idx.msk [tilespmem:v22+s2+$0x0], $0xffff  }
0x43: {  	v39 =	vadd.s32 v2, v14;
	v14 =	vbroadcast v17, $0x0;
	v15 =	vadd.s32 $0x1, v34;
	v40 =	vld.idx.msk [tilespmem:v5+s2+$0x0], $0xffff;
	v5 =	vmovc v8  }
0x44: {  	v8 =	vadd.s32 $0x2, v34;
	v17 =	vadd.s32 $0x1, v36;
	v41 =	vadd.s32 $0x2, v36;
	v20 =	vld.idx.msk [tilespmem:v13+s2+$0x0], $0xffff;
	[tilespmem:v30+s13+$0x0] =	vst.idx.msk $0xffff, v23  }
.Ltmp0:
0x45: {  	v23 =	vmul.u32 $0x3, v19;
	v24 =	vadd.s32 v0, v14;
	v21 =	vld.idx.msk [tilespmem:v27+s2+$0x0], $0xffff;
	[tilespmem:v29+s13+$0x0] =	vst.idx.msk $0xffff, v28;
	(pc) =	sbr.rel @p0 .LBB2_4-.Ltmp0, $4  }
0x46: {  	v10 =	vbroadcast v26, $0x0;
	v25 =	vadd.s32 v0, v4;
	v27 =	vadd.s32 $0x1, v13;
	v18 =	vld.idx.msk [tilespmem:v12+s2+$0x0], $0xffff;
	[tilespmem:v32+s13+$0x0] =	vst.idx.msk $0xffff, v31  }
0x47: {  	v19 =	vor.u32 v2, v11;
	v11 =	vbroadcast v23, $0x0;
	v12 =	vmov v41;
	v22 =	vld.idx.msk [tilespmem:v34+s2+$0x0], $0xffff;
	[tilespmem:v33+s13+$0x0] =	vst.idx.msk $0xffff, v35  }
0x48: {  	s21 =	sadd.s32 $0x40, s21;
	v26 =	vadd.s32 v0, v10;
	v23 =	vld.idx.msk [tilespmem:v36+s2+$0x0], $0xffff;
	[tilespmem:v39+s13+$0x0] =	vst.idx.msk $0xffff, v37  }
0x49: {  	s22 =	sadd.s32 $0x40, s22;
	v28 =	vor.u32 v0, v11;
	v29 =	vld [tilespmem:s21+$0x10];
	[tilespmem:v38+s13+$0x0] =	vst.idx.msk $0xffff, v40  }
0x4a: {  	_ = 	snop  }
0x4b: {  	v30 =	vld [tilespmem:s21+$0xFFFFFFE0]  }
0x4c: {  	v31 =	vld [tilespmem:s21+$0xFFFFFFF0]  }
0x4d: {  	v46 =	vld [tilespmem:s21+$0x0]  }
0x4e: {  	[tilespmem:v24+s13+$0x0] =	vst.idx.msk $0xffff, v20;
	v48 =	vadd.s32 v1, v14;
	v50 =	vmov s20;
	v13 =	vadd.s32 $0x2, v13  }
0x4f: {  	s29 =	sadd.s32 $0x30, s20;
	v52 =	vadd.s32 v1, v4;
	v6 =	vadd.s32 v2, v6;
	v9 =	vld.idx.msk [tilespmem:v9+s2+$0x0], $0xffff;
	v49 =	vmul.u32 $0x3, v29  }
0x50: {  	[tilespmem:v25+s13+$0x0] =	vst.idx.msk $0xffff, v21;
	v3 =	vadd.s32 v2, v3;
	v5 =	vld.idx.msk [tilespmem:v5+s2+$0x0], $0xffff;
	v51 =	vmov s29;
	v53 =	vmul.u32 $0x3, v30  }
0x51: {  	s22 =	sadd.s32 $0x10, s20;
	v56 =	vadd.s32 v1, v10;
	v27 =	vld.idx.msk [tilespmem:v27+s2+$0x0], $0xffff;
	[tilespmem:v26+s13+$0x0] =	vst.idx.msk $0xffff, v22;
	v22 =	vmul.u32 $0x3, v51;
	v54 =	vmul.u32 $0x3, v31  }
0x52: {  	s30 =	sadd.s32 $0x20, s20;
	v47 =	vmov s22;
	v16 =	vld.idx.msk [tilespmem:v16+s2+$0x0], $0xffff;
	[tilespmem:v19+s13+$0x0] =	vst.idx.msk $0xffff, v18;
	v29 =	vmul.u32 $0x3, v50;
	v20 =	vmul.u32 $0x3, v46  }
0x53: {  	v57 =	vmov s30;
	v24 =	vmul.u32 $0x3, v47;
	[tilespmem:v28+s13+$0x0] =	vst.idx.msk $0xffff, v23;
	v15 =	vld.idx.msk [tilespmem:v15+s2+$0x0], $0xffff;
	v22 =	vbroadcast v22, $0x0  }
0x54: {  	v55 =	vor.u32 v1, v11;
	v18 =	vmul.u32 $0x3, v57;
	v17 =	vld.idx.msk [tilespmem:v17+s2+$0x0], $0xffff;
	[tilespmem:v6+s13+$0x0] =	vst.idx.msk $0xffff, v9;
	v60 =	vbroadcast v29, $0x0  }
0x55: {  	v24 =	vbroadcast v24, $0x0;
	[tilespmem:v3+s13+$0x0] =	vst.idx.msk $0xffff, v5;
	v59 =	vadd.s32 v0, v22;
	v58 =	vld.idx.msk [tilespmem:v49+s2+$0x0], $0xffff  }
0x56: {  	v63 =	vbroadcast v18, $0x0;
	[tilespmem:v48+s13+$0x0] =	vst.idx.msk $0xffff, v27;
	v62 =	vadd.s32 $0x1, v49;
	v37 =	vor.u32 v0, v60;
	v36 =	vld.idx.msk [tilespmem:v53+s2+$0x0], $0xffff  }
0x57: {  	[tilespmem:v52+s13+$0x0] =	vst.idx.msk $0xffff, v16;
	v32 =	vadd.s32 v0, v24;
	v38 =	vadd.s32 $0x1, v53;
	v39 =	vld.idx.msk [tilespmem:v54+s2+$0x0], $0xffff  }
0x58: {  	v42 =	vadd.s32 v0, v63;
	v40 =	vadd.s32 $0x1, v54;
	[tilespmem:v56+s13+$0x0] =	vst.idx.msk $0xffff, v15;
	v41 =	vld.idx.msk [tilespmem:v20+s2+$0x0], $0xffff  }
0x59: {  	v61 =	vadd.s32 v2, v14;
	v13 =	vld.idx.msk [tilespmem:v13+s2+$0x0], $0xffff;
	v43 =	vadd.s32 $0x1, v20;
	[tilespmem:v55+s13+$0x0] =	vst.idx.msk $0xffff, v17  }
0x5a: {  	v7 =	vld.idx.msk [tilespmem:v7+s2+$0x0], $0xffff;
	v55 =	vadd.s32 v2, v4;
	[tilespmem:v59+s13+$0x0] =	vst.idx.msk $0xffff, v58  }
0x5b: {  	v45 =	vadd.s32 v1, v22;
	v44 =	vld.idx.msk [tilespmem:v62+s2+$0x0], $0xffff;
	[tilespmem:v37+s13+$0x0] =	vst.idx.msk $0xffff, v36  }
0x5c: {  	v47 =	vadd.s32 $0x2, v49;
	v48 =	vor.u32 v1, v60;
	[tilespmem:v32+s13+$0x0] =	vst.idx.msk $0xffff, v39;
	v18 =	vld.idx.msk [tilespmem:v38+s2+$0x0], $0xffff  }
0x5d: {  	v51 =	vadd.s32 v1, v24;
	v49 =	vadd.s32 $0x2, v53;
	[tilespmem:v42+s13+$0x0] =	vst.idx.msk $0xffff, v41;
	v50 =	vld.idx.msk [tilespmem:v40+s2+$0x0], $0xffff  }
0x5e: {  	v52 =	vadd.s32 $0x2, v54;
	v53 =	vadd.s32 v1, v63;
	[tilespmem:v61+s13+$0x0] =	vst.idx.msk $0xffff, v13;
	v3 =	vld.idx.msk [tilespmem:v43+s2+$0x0], $0xffff  }
0x5f: {  	v46 =	vor.u32 v2, v11;
	v12 =	vld.idx.msk [tilespmem:v12+s2+$0x0], $0xffff;
	v54 =	vadd.s32 $0x2, v20;
	[tilespmem:v55+s13+$0x0] =	vst.idx.msk $0xffff, v7  }
0x60: {  	v8 =	vld.idx.msk [tilespmem:v8+s2+$0x0], $0xffff;
	v58 =	vadd.s32 v2, v10;
	[tilespmem:v45+s13+$0x0] =	vst.idx.msk $0xffff, v44  }
0x61: {  	v57 =	vadd.s32 v2, v22;
	v56 =	vld.idx.msk [tilespmem:v47+s2+$0x0], $0xffff;
	[tilespmem:v48+s13+$0x0] =	vst.idx.msk $0xffff, v18  }
0x62: {  	v60 =	vor.u32 v2, v60;
	[tilespmem:v51+s13+$0x0] =	vst.idx.msk $0xffff, v50;
	v59 =	vld.idx.msk [tilespmem:v49+s2+$0x0], $0xffff  }
0x63: {  	[tilespmem:v53+s13+$0x0] =	vst.idx.msk $0xffff, v3;
	v3 =	vadd.s32 v2, v24;
	v61 =	vld.idx.msk [tilespmem:v52+s2+$0x0], $0xffff  }
0x64: {  	[tilespmem:v46+s13+$0x0] =	vst.idx.msk $0xffff, v12;
	v62 =	vadd.s32 v2, v63;
	v63 =	vld.idx.msk [tilespmem:v54+s2+$0x0], $0xffff  }
0x65: {  	[tilespmem:v58+s13+$0x0] =	vst.idx.msk $0xffff, v8  }
0x66: {  	[tilespmem:v57+s13+$0x0] =	vst.idx.msk $0xffff, v56  }
0x67: {  	s31 =	smul.u32 $0x1E00, s19;
	s19 =	sadd.s32 $0x1, s19;
	[tilespmem:v60+s13+$0x0] =	vst.idx.msk $0xffff, v59  }
0x68: {  	p0 =	sne.s32 s19, $0xF;
	[tilespmem:v3+s13+$0x0] =	vst.idx.msk $0xffff, v61  }
.Ltmp1:
0x69: {  	s20 =	sadd.s32 s31, s16;
	[tilespmem:v62+s13+$0x0] =	vst.idx.msk $0xffff, v63;
	(pc) =	sbr.rel @p0 .LBB2_3-.Ltmp1, $4  }
0x6a: {  	[hbm4b:s20+s9] =	stream.strided.scatter [tilespmem:s13], [sflag:$0x1], $0x1E00, s10, s9, $0x38;
	[tilespmem:$0x1FD00] =	vst v63  }
0x6b: {  	_ =	swait.ge [sflag:s11], $0x1E00  }
0x6c: {  	[sflag:s11] =	ssyncset.done $0x0  }
0x6d: {  	[sflag:s11] =	ssyncadd.s32 $0xFFFFE200  }
0x6e: {  	s17 =	sadd.s32 $0x9600, s18  }
0x6f: {  	[tilespmem:s12], [sflag:$0x1] =	stream.strided.gather [hbm4b:s17+s9], $0x680, s10, s9, $0x38;
	[tilespmem:$0x1FD00] =	vst v63  }
0x70: {  	_ =	swait.ge [sflag:s11], $0x680  }
0x71: {  	[sflag:s11] =	ssyncset.done $0x0  }
0x72: {  	s21 =	simm.s32 $0x1D520;
	[sflag:s11] =	ssyncadd.s32 $0xFFFFF980  }
0x73: {  	v3 =	vld [tilespmem:s21+$0x10]  }
0x74: {  	v4 =	vld [tilespmem:s21+$0xFFFFFFF0]  }
0x75: {  	v5 =	vld [tilespmem:s21+$0x0]  }
0x76: {  	v6 =	vld [tilespmem:s21+$0xFFFFFFE0];
	_ =	sdelay $0x1  }
0x77: {  	s22 =	simm.s32 $0x30;
	v7 =	vmul.u32 $0x3, v3  }
0x78: {  	s25 =	simm.s32 $0x20;
	v3 =	vmov s22  }
0x79: {  	s24 =	simm.s32 $0x10;
	v14 =	vmov s25;
	v4 =	vmul.u32 $0x3, v4;
	v3 =	vmul.u32 $0x3, v3  }
0x7a: {  	s23 =	simm.s32 $0x0;
	s26 =	simm.s32 $0x1D560;
	v5 =	vmul.u32 $0x3, v5;
	v8 =	vmul.u32 $0x3, v6;
	v6 =	vmov s24  }
0x7b: {  	v17 =	vld [tilespmem:s26+$0x10];
	v6 =	vmul.u32 $0x3, v6;
	v10 =	vbroadcast v3, $0x0;
	v3 =	vmov s23  }
0x7c: {  	v14 =	vmul.u32 $0x3, v14;
	v18 =	vld [tilespmem:s26+$0xFFFFFFF0];
	v3 =	vmul.u32 $0x3, v3  }
0x7d: {  	v6 =	vbroadcast v6, $0x0;
	v11 =	vadd.s32 v0, v10;
	v9 =	vld.idx.msk [tilespmem:v7+s2+$0x0], $0xffff  }
0x7e: {  	v24 =	vld [tilespmem:s26+$0x0];
	v13 =	vadd.s32 $0x1, v7;
	v19 =	vbroadcast v3, $0x0;
	v3 =	vbroadcast v14, $0x0  }
0x7f: {  	v20 =	vadd.s32 v0, v6;
	v12 =	vld.idx.msk [tilespmem:v4+s2+$0x0], $0xffff  }
0x80: {  	v22 =	vadd.s32 $0x1, v4;
	v15 =	vld.idx.msk [tilespmem:v5+s2+$0x0], $0xffff;
	v23 =	vadd.s32 v0, v3  }
0x81: {  	v25 =	vadd.s32 $0x1, v5;
	v16 =	vld.idx.msk [tilespmem:v8+s2+$0x0], $0xffff;
	v14 =	vor.u32 v0, v19  }
0x82: {  	v27 =	vld [tilespmem:s26+$0xFFFFFFE0];
	[tilespmem:v11+s13+$0x0] =	vst.idx.msk $0xffff, v9;
	v11 =	vadd.s32 $0x1, v8  }
0x83: {  	v26 =	vadd.s32 v1, v10;
	v21 =	vld.idx.msk [tilespmem:v13+s2+$0x0], $0xffff  }
0x84: {  	s28 =	simm.s32 $0x50;
	v28 =	vadd.s32 $0x2, v8;
	v7 =	vadd.s32 $0x2, v7;
	v8 =	vmul.u32 $0x3, v18;
	[tilespmem:v20+s13+$0x0] =	vst.idx.msk $0xffff, v12  }
0x85: {  	s30 =	simm.s32 $0x60;
	v9 =	vadd.s32 $0x2, v4;
	v4 =	vmov s28;
	v13 =	vmul.u32 $0x3, v17;
	v22 =	vld.idx.msk [tilespmem:v22+s2+$0x0], $0xffff;
	[tilespmem:v23+s13+$0x0] =	vst.idx.msk $0xffff, v15  }
0x86: {  	s31 =	simm.s32 $0x70;
	[tilespmem:v14+s13+$0x0] =	vst.idx.msk $0xffff, v16;
	v14 =	vmov s30;
	v23 =	vmul.u32 $0x3, v24;
	v24 =	vadd.s32 v1, v6;
	v29 =	vld.idx.msk [tilespmem:v25+s2+$0x0], $0xffff  }
0x87: {  	v17 =	vor.u32 v1, v19;
	v15 =	vmov s31;
	v25 =	vmul.u32 $0x3, v14;
	v11 =	vld.idx.msk [tilespmem:v11+s2+$0x0], $0xffff  }
0x88: {  	v14 =	vmul.u32 $0x3, v15;
	[tilespmem:v26+s13+$0x0] =	vst.idx.msk $0xffff, v21;
	v26 =	vmul.u32 $0x3, v27;
	v27 =	vadd.s32 v1, v3  }
0x89: {  	s29 =	simm.s32 $0x40;
	v4 =	vmul.u32 $0x3, v4  }
0x8a: {  	v31 =	vadd.s32 v2, v10;
	v12 =	vmov s29;
	v14 =	vbroadcast v14, $0x0;
	v21 =	vld.idx.msk [tilespmem:v8+s2+$0x0], $0xffff  }
0x8b: {  	v32 =	vmul.u32 $0x3, v12;
	v19 =	vor.u32 v2, v19;
	v4 =	vbroadcast v4, $0x0;
	v30 =	vld.idx.msk [tilespmem:v7+s2+$0x0], $0xffff;
	[tilespmem:v24+s13+$0x0] =	vst.idx.msk $0xffff, v22  }
0x8c: {  	v16 =	vadd.s32 $0x1, v8;
	v15 =	vadd.s32 $0x1, v23;
	v20 =	vld.idx.msk [tilespmem:v13+s2+$0x0], $0xffff;
	v24 =	vadd.s32 v0, v14;
	[tilespmem:v17+s13+$0x0] =	vst.idx.msk $0xffff, v11  }
0x8d: {  	v10 =	vbroadcast v25, $0x0;
	v25 =	vadd.s32 v0, v4;
	v22 =	vld.idx.msk [tilespmem:v23+s2+$0x0], $0xffff;
	[tilespmem:v27+s13+$0x0] =	vst.idx.msk $0xffff, v29;
	v27 =	vadd.s32 $0x1, v13  }
0x8e: {  	v7 =	vadd.s32 $0x2, v8;
	v8 =	vadd.s32 $0x2, v23;
	v11 =	vbroadcast v32, $0x0;
	v18 =	vld.idx.msk [tilespmem:v28+s2+$0x0], $0xffff  }
0x8f: {  	s18 =	simm.s32 $0x1D5A0;
	v12 =	vadd.s32 $0x2, v26;
	v17 =	vadd.s32 $0x1, v26;
	v23 =	vld.idx.msk [tilespmem:v26+s2+$0x0], $0xffff;
	v26 =	vadd.s32 v0, v10  }
0x90: {  	s19 =	simm.s32 $0xC0;
	s17 =	simm.s32 $0x80;
	v5 =	vadd.s32 $0x2, v5;
	v29 =	vld [tilespmem:s18+$0x10];
	[tilespmem:v31+s13+$0x0] =	vst.idx.msk $0xffff, v30;
	v28 =	vor.u32 v0, v11  }
.LBB2_7:
0x91: {  	p0 =	slt.u32 s19, $0x600;
	v30 =	vld [tilespmem:s18+$0xFFFFFFF0];
	s20 =	sadd.s32 $0x10, s17;
	[tilespmem:v24+s13+$0x0] =	vst.idx.msk $0xffff, v20  }
0x92: {  	v20 =	vmov s20;
	[tilespmem:v25+s13+$0x0] =	vst.idx.msk $0xffff, v21;
	v21 =	vld.idx.msk [tilespmem:v27+s2+$0x0], $0xffff  }
0x93: {  	s20 =	sadd.s32 $0x20, s17;
	v25 =	vadd.s32 v1, v14;
	v20 =	vmul.u32 $0x3, v20;
	v24 =	vld [tilespmem:s18+$0x0];
	[tilespmem:v19+s13+$0x0] =	vst.idx.msk $0xffff, v18  }
0x94: {  	v19 =	vmov s17;
	v27 =	vmov s20;
	v18 =	vld [tilespmem:s18+$0xFFFFFFE0];
	[tilespmem:v26+s13+$0x0] =	vst.idx.msk $0xffff, v22;
	v22 =	vadd.s32 $0x2, v13  }
0x95: {  	v26 =	vmul.u32 $0x3, v27;
	v20 =	vbroadcast v20, $0x0;
	v13 =	vmul.u32 $0x3, v29;
	[tilespmem:v28+s13+$0x0] =	vst.idx.msk $0xffff, v23;
	v23 =	vld.idx.msk [tilespmem:v16+s2+$0x0], $0xffff  }
0x96: {  	s20 =	sadd.s32 $0x30, s17;
	s17 =	smov.u32 s19;
	v29 =	vor.u32 v1, v11;
	v27 =	vmul.u32 $0x3, v30;
	v28 =	vld.idx.msk [tilespmem:v17+s2+$0x0], $0xffff;
	v30 =	vadd.s32 v1, v4  }
0x97: {  	v32 =	vadd.s32 v1, v10;
	v33 =	vadd.s32 v2, v6;
	v6 =	vmovc v4;
	v17 =	vmov s20;
	v31 =	vld.idx.msk [tilespmem:v15+s2+$0x0], $0xffff;
	v4 =	vmovc v20  }
0x98: {  	v17 =	vmul.u32 $0x3, v17;
	v16 =	vadd.s32 $0x1, v27;
	v34 =	vmul.u32 $0x3, v24;
	[tilespmem:v25+s13+$0x0] =	vst.idx.msk $0xffff, v21;
	v35 =	vld.idx.msk [tilespmem:v9+s2+$0x0], $0xffff;
	v9 =	vmovc v7  }
0x99: {  	v38 =	vadd.s32 v2, v3;
	v3 =	vmovc v10;
	v7 =	vadd.s32 $0x2, v27;
	v36 =	vmul.u32 $0x3, v18;
	v37 =	vld.idx.msk [tilespmem:v22+s2+$0x0], $0xffff  }
0x9a: {  	v39 =	vadd.s32 v2, v14;
	v14 =	vbroadcast v17, $0x0;
	v15 =	vadd.s32 $0x1, v34;
	v40 =	vld.idx.msk [tilespmem:v5+s2+$0x0], $0xffff;
	v5 =	vmovc v8  }
0x9b: {  	v8 =	vadd.s32 $0x2, v34;
	v17 =	vadd.s32 $0x1, v36;
	v41 =	vadd.s32 $0x2, v36;
	v20 =	vld.idx.msk [tilespmem:v13+s2+$0x0], $0xffff;
	[tilespmem:v30+s13+$0x0] =	vst.idx.msk $0xffff, v23  }
.Ltmp2:
0x9c: {  	v23 =	vmul.u32 $0x3, v19;
	v24 =	vadd.s32 v0, v14;
	v21 =	vld.idx.msk [tilespmem:v27+s2+$0x0], $0xffff;
	[tilespmem:v29+s13+$0x0] =	vst.idx.msk $0xffff, v28;
	(pc) =	sbr.rel @p0 .LBB2_7-.Ltmp2, $4  }
0x9d: {  	v10 =	vbroadcast v26, $0x0;
	v25 =	vadd.s32 v0, v4;
	v27 =	vadd.s32 $0x1, v13;
	v18 =	vld.idx.msk [tilespmem:v12+s2+$0x0], $0xffff;
	[tilespmem:v32+s13+$0x0] =	vst.idx.msk $0xffff, v31  }
0x9e: {  	v19 =	vor.u32 v2, v11;
	v11 =	vbroadcast v23, $0x0;
	v12 =	vmov v41;
	v22 =	vld.idx.msk [tilespmem:v34+s2+$0x0], $0xffff;
	[tilespmem:v33+s13+$0x0] =	vst.idx.msk $0xffff, v35  }
0x9f: {  	s18 =	sadd.s32 $0x40, s18;
	v26 =	vadd.s32 v0, v10;
	v23 =	vld.idx.msk [tilespmem:v36+s2+$0x0], $0xffff;
	[tilespmem:v39+s13+$0x0] =	vst.idx.msk $0xffff, v37  }
0xa0: {  	s19 =	sadd.s32 $0x40, s19;
	v28 =	vor.u32 v0, v11;
	v29 =	vld [tilespmem:s18+$0x10];
	[tilespmem:v38+s13+$0x0] =	vst.idx.msk $0xffff, v40  }
0xa1: {  	_ = 	snop  }
0xa2: {  	v30 =	vld [tilespmem:s18+$0xFFFFFFE0]  }
0xa3: {  	v31 =	vld [tilespmem:s18+$0xFFFFFFF0]  }
0xa4: {  	v46 =	vld [tilespmem:s18+$0x0]  }
0xa5: {  	[tilespmem:v24+s13+$0x0] =	vst.idx.msk $0xffff, v20;
	v48 =	vadd.s32 v1, v14;
	v50 =	vmov s17;
	v13 =	vadd.s32 $0x2, v13  }
0xa6: {  	s30 =	sadd.s32 $0x30, s17;
	v52 =	vadd.s32 v1, v4;
	v6 =	vadd.s32 v2, v6;
	v9 =	vld.idx.msk [tilespmem:v9+s2+$0x0], $0xffff;
	v49 =	vmul.u32 $0x3, v29  }
0xa7: {  	[tilespmem:v25+s13+$0x0] =	vst.idx.msk $0xffff, v21;
	v3 =	vadd.s32 v2, v3;
	v5 =	vld.idx.msk [tilespmem:v5+s2+$0x0], $0xffff;
	v51 =	vmov s30;
	v53 =	vmul.u32 $0x3, v30  }
0xa8: {  	s19 =	sadd.s32 $0x10, s17;
	v56 =	vadd.s32 v1, v10;
	v27 =	vld.idx.msk [tilespmem:v27+s2+$0x0], $0xffff;
	[tilespmem:v26+s13+$0x0] =	vst.idx.msk $0xffff, v22;
	v22 =	vmul.u32 $0x3, v51;
	v54 =	vmul.u32 $0x3, v31  }
0xa9: {  	s31 =	sadd.s32 $0x20, s17;
	v47 =	vmov s19;
	v16 =	vld.idx.msk [tilespmem:v16+s2+$0x0], $0xffff;
	[tilespmem:v19+s13+$0x0] =	vst.idx.msk $0xffff, v18;
	v29 =	vmul.u32 $0x3, v50;
	v20 =	vmul.u32 $0x3, v46  }
0xaa: {  	v57 =	vmov s31;
	v24 =	vmul.u32 $0x3, v47;
	[tilespmem:v28+s13+$0x0] =	vst.idx.msk $0xffff, v23;
	v15 =	vld.idx.msk [tilespmem:v15+s2+$0x0], $0xffff;
	v22 =	vbroadcast v22, $0x0  }
0xab: {  	v55 =	vor.u32 v1, v11;
	v18 =	vmul.u32 $0x3, v57;
	v17 =	vld.idx.msk [tilespmem:v17+s2+$0x0], $0xffff;
	[tilespmem:v6+s13+$0x0] =	vst.idx.msk $0xffff, v9;
	v60 =	vbroadcast v29, $0x0  }
0xac: {  	v24 =	vbroadcast v24, $0x0;
	[tilespmem:v3+s13+$0x0] =	vst.idx.msk $0xffff, v5;
	v59 =	vadd.s32 v0, v22;
	v58 =	vld.idx.msk [tilespmem:v49+s2+$0x0], $0xffff  }
0xad: {  	v63 =	vbroadcast v18, $0x0;
	[tilespmem:v48+s13+$0x0] =	vst.idx.msk $0xffff, v27;
	v62 =	vadd.s32 $0x1, v49;
	v37 =	vor.u32 v0, v60;
	v36 =	vld.idx.msk [tilespmem:v53+s2+$0x0], $0xffff  }
0xae: {  	[tilespmem:v52+s13+$0x0] =	vst.idx.msk $0xffff, v16;
	v32 =	vadd.s32 v0, v24;
	v38 =	vadd.s32 $0x1, v53;
	v39 =	vld.idx.msk [tilespmem:v54+s2+$0x0], $0xffff  }
0xaf: {  	v42 =	vadd.s32 v0, v63;
	v40 =	vadd.s32 $0x1, v54;
	[tilespmem:v56+s13+$0x0] =	vst.idx.msk $0xffff, v15;
	v41 =	vld.idx.msk [tilespmem:v20+s2+$0x0], $0xffff  }
0xb0: {  	v61 =	vadd.s32 v2, v14;
	v13 =	vld.idx.msk [tilespmem:v13+s2+$0x0], $0xffff;
	v43 =	vadd.s32 $0x1, v20;
	[tilespmem:v55+s13+$0x0] =	vst.idx.msk $0xffff, v17  }
0xb1: {  	v7 =	vld.idx.msk [tilespmem:v7+s2+$0x0], $0xffff;
	v55 =	vadd.s32 v2, v4;
	[tilespmem:v59+s13+$0x0] =	vst.idx.msk $0xffff, v58  }
0xb2: {  	v45 =	vadd.s32 v1, v22;
	v44 =	vld.idx.msk [tilespmem:v62+s2+$0x0], $0xffff;
	[tilespmem:v37+s13+$0x0] =	vst.idx.msk $0xffff, v36  }
0xb3: {  	v47 =	vadd.s32 $0x2, v49;
	v48 =	vor.u32 v1, v60;
	[tilespmem:v32+s13+$0x0] =	vst.idx.msk $0xffff, v39;
	v18 =	vld.idx.msk [tilespmem:v38+s2+$0x0], $0xffff  }
0xb4: {  	v51 =	vadd.s32 v1, v24;
	v49 =	vadd.s32 $0x2, v53;
	[tilespmem:v42+s13+$0x0] =	vst.idx.msk $0xffff, v41;
	v50 =	vld.idx.msk [tilespmem:v40+s2+$0x0], $0xffff  }
0xb5: {  	v52 =	vadd.s32 $0x2, v54;
	v53 =	vadd.s32 v1, v63;
	[tilespmem:v61+s13+$0x0] =	vst.idx.msk $0xffff, v13;
	v3 =	vld.idx.msk [tilespmem:v43+s2+$0x0], $0xffff  }
0xb6: {  	v46 =	vor.u32 v2, v11;
	v12 =	vld.idx.msk [tilespmem:v12+s2+$0x0], $0xffff;
	v54 =	vadd.s32 $0x2, v20;
	[tilespmem:v55+s13+$0x0] =	vst.idx.msk $0xffff, v7  }
0xb7: {  	v8 =	vld.idx.msk [tilespmem:v8+s2+$0x0], $0xffff;
	v58 =	vadd.s32 v2, v10;
	[tilespmem:v45+s13+$0x0] =	vst.idx.msk $0xffff, v44  }
0xb8: {  	v57 =	vadd.s32 v2, v22;
	v56 =	vld.idx.msk [tilespmem:v47+s2+$0x0], $0xffff;
	[tilespmem:v48+s13+$0x0] =	vst.idx.msk $0xffff, v18  }
0xb9: {  	v60 =	vor.u32 v2, v60;
	[tilespmem:v51+s13+$0x0] =	vst.idx.msk $0xffff, v50;
	v59 =	vld.idx.msk [tilespmem:v49+s2+$0x0], $0xffff  }
0xba: {  	[tilespmem:v53+s13+$0x0] =	vst.idx.msk $0xffff, v3;
	v3 =	vadd.s32 v2, v24;
	v61 =	vld.idx.msk [tilespmem:v52+s2+$0x0], $0xffff  }
0xbb: {  	[tilespmem:v46+s13+$0x0] =	vst.idx.msk $0xffff, v12;
	v62 =	vadd.s32 v2, v63;
	v63 =	vld.idx.msk [tilespmem:v54+s2+$0x0], $0xffff  }
0xbc: {  	[tilespmem:v58+s13+$0x0] =	vst.idx.msk $0xffff, v8  }
0xbd: {  	[tilespmem:v57+s13+$0x0] =	vst.idx.msk $0xffff, v56  }
0xbe: {  	s15 =	sadd.s32 $0x1, s15;
	[tilespmem:v60+s13+$0x0] =	vst.idx.msk $0xffff, v59  }
0xbf: {  	p0 =	sne.s32 s15, $0x4;
	[tilespmem:v3+s13+$0x0] =	vst.idx.msk $0xffff, v61  }
.Ltmp3:
0xc0: {  	s16 =	sadd.s32 $0x1C200, s16;
	[tilespmem:v62+s13+$0x0] =	vst.idx.msk $0xffff, v63;
	(pc) =	sbr.rel @p0 .LBB2_2-.Ltmp3, $4  }
0xc1: {  	[hbm4b:s16+s9] =	stream.strided.scatter [tilespmem:s13], [sflag:$0x1], $0x1300, s10, s9, $0x38;
	[tilespmem:$0x1FD00] =	vst v63  }
0xc2: {  	_ =	swait.ge [sflag:s11], $0x1300  }
0xc3: {  	[sflag:s11] =	ssyncset.done $0x0  }
0xc4: {  	[sflag:s11] =	ssyncadd.s32 $0xFFFFED00  }
0xc5: {  	s14 =	sadd.s32 $0x1, s14  }
0xc6: {  	p0 =	sne.s32 s14, s8  }
.Ltmp4:
0xc7: {  	_ = 	snop;
	(pc) =	sbr.rel @p0 .LBB2_1-.Ltmp4, $1  }
0xc8: {  	_ =	sdelay $0x3  }
0xc9: {  	_ =	sfence.sel $0x180000  }
0xca: {  	[bflag:$0x0] =	sbarrier.arrive $0xFFFF  }
0xcb: {  	p0 =	sne.s32 s1, $0x0;
	_ =	strace $0x9000004D  }
0xcc: {  	s0 =	sadd.s32 @!p0 $0x100000, s0;
	[bflag:$0x2] =	sbarrier.arrive $0xFFFF  }
0xcd: {  	[sflag:s0] =	ssyncadd.tile.s32 @!p0 $0x1;
	_ =	shalt  }
.Lfunc_end2:
_tile_overlayer_lowered:
.L_overlay_start_2:
0xce: {  	(tag) =	ssettag $0x2  }
0xcf: {  	s0 =	rddreg [dreg:$0x0];
	s2 =	stileid.u32  }
0xd0: {  	s1 =	rddreg [dreg:$0x1];
	p0 =	sne.s32 s2, $0x0  }
0xd1: {  	s3 =	rddreg [dreg:$0x2];
	[bflag:$0x3] =	sbarrier.arrive $0xFFFF;
	s2 =	simm.s32 @!p0 $0x1C01  }
0xd2: {  	[timem:s3], [sflag:s2] =	dma.local @!p0 [hbm:s0], s1  }
0xd3: {  	s0 =	simm.s32 @!p0 $0x1  }
0xd4: {  	_ =	swait.ge @!p0 [sflag:s0], s1  }
0xd5: {  	s1 =	ssub.s32 @!p0 $0x0, s1;
	[sflag:s0] =	ssyncset.done @!p0 $0x0  }
0xd6: {  	[sflag:s0] =	ssyncadd.s32 @!p0 s1  }
0xd7: {  	[bflag:$0x3] =	sbarrier.arrive $0xFFFF  }
0xd8: {  	_ =	shalt  }

// kernel: kernel.9.cloned.1.call-start
scs
__scs_entry_jumppad:
0x0: {  	(pc) =	sbr.rel $0x88, $3  }
0x1: {  	(tag) =	ssettag $0x0;
	lr =	simm.s32 $0x1  }
0x2: {  	[smem:$0x3F9D] =	sst lr;
	_ =	strace $0xD0000000  }
0x3: {  	_ = 	snop  }
0x4: {  	_ = 	snop  }
0x5: {  	_ = 	snop  }
0x6: {  	_ = 	snop  }
0x7: {  	_ = 	snop  }
__scs_overlays_trampoline_lowered:
0x8: {  	[smem:$0x3FAC] =	sst s0  }
0x9: {  	[smem:$0x3FAD] =	sst s1  }
0xa: {  	[smem:$0x3FAE] =	sst s2  }
0xb: {  	[smem:$0x3FAF] =	sst s3  }
0xc: {  	[smem:$0x3FB0] =	sst s4  }
0xd: {  	[smem:$0x3FB1] =	sst s5  }
0xe: {  	[smem:$0x3FB2] =	sst s6  }
0xf: {  	[smem:$0x3FB3] =	sst s7  }
0x10: {  	[smem:$0x3FB4] =	sst s8  }
0x11: {  	[smem:$0x3FB5] =	sst s9;
	s0 =	simm.s32 @!p0 $0x0  }
0x12: {  	s1 =	sld [smem:$0x3F9B];
	s0 =	simm.s32 @p0 $0x1  }
0x13: {  	[smem:$0x3FB6] =	sst s0;
	s0 =	simm.s32 @!p1 $0x0  }
0x14: {  	s2 =	sld [smem:$0x3F9A];
	s0 =	simm.s32 @p1 $0x1  }
0x15: {  	[smem:$0x3FB7] =	sst s0;
	s0 =	simm.s32 @!p2 $0x0  }
0x16: {  	s3 =	sld [smem:$0x3FDB];
	s0 =	simm.s32 @p2 $0x1  }
0x17: {  	s4 =	simm.s32 $0x1BF5;
	[smem:$0x3FB9] =	sst s0  }
0x18: {  	s0 =	sld [smem:$0x3F9C];
	_ =	swait.ge [sflag:s4], $0x0  }
0x19: {  	s7 =	sld [smem:$0x3F9D]  }
0x1a: {  	s8 =	sadd.s32 $0xFFFFE003, lr  }
0x1b: {  	s9 =	sadd.s32 $0xFFFFFEF7, lr;
	s5 =	simm.s32 $0xFFFFFFFF;
	p2 =	slt.u32 s8, $0xFFFFF086  }
0x1c: {  	p1 =	slt.u32 s9, $0xF7A;
	s5 =	simm.s32 @!p2 $0x0  }
0x1d: {  	s5 =	simm.s32 @p1 $0x1;
	p0 =	seq.s32 s7, s2  }
0x1e: {  	s7 =	smul.u32 @!p0 $0xF7A, s2;
	p2 =	seq.s32 @!p0 s5, $0x0  }
0x1f: {  	s9 =	smul.u32 $0xF7A, s1;
	s8 =	simm.s32 @!p0 $0x1BF5;
	p2 =	por !p2, p0  }
0x20: {  	[sflag:s8] =	ssyncset.s32 @!p0 $0xFFFFF086;
	s6 =	sadd.s32 @!p0 s3, s7;
	s7 =	simm.s32 @!p0 $0x108  }
0x21: {  	s3 =	sadd.s32 s3, s9;
	s6 =	sadd.s32 @!p0 $0x88, s6;
	s7 =	simm.s32 @p2 $0x1082  }
0x22: {  	[simem:s7], [sflag:s8] =	dma.local @!p0 [hbm:s6], $0xF7A  }
0x23: {  	s9 =	sor.u32 $0xD0000000, s2;
	s6 =	simm.s32 $0x108;
	_ =	swait.ge @!p0 [sflag:s8], $0x0  }
0x24: {  	s3 =	sadd.s32 $0x88, s3;
	s6 =	simm.s32 @!p1 $0x1082;
	[sflag:s4] =	ssyncset.s32 $0xFFFFF086  }
0x25: {  	[simem:s6], [sflag:s4] =	dma.local [hbm:s3], $0xF7A  }
0x26: {  	[smem:$0x3F9D] =	sst s1;
	(tag) =	ssettag s2;
	_ =	strace s9  }
0x27: {  	s1 =	sld [smem:$0x3FAD]  }
0x28: {  	s2 =	sld [smem:$0x3FAE]  }
0x29: {  	s4 =	sld [smem:$0x3FB0]  }
0x2a: {  	p0 =	seq.s32 s5, $0x0;
	s5 =	sld [smem:$0x3FB1]  }
0x2b: {  	s6 =	sld [smem:$0x3FB2]  }
0x2c: {  	s7 =	sld [smem:$0x3FB3]  }
0x2d: {  	s3 =	simm.s32 $0x108;
	s8 =	sld [smem:$0x3FB4]  }
0x2e: {  	s3 =	simm.s32 @!p0 $0x1082;
	s9 =	sld [smem:$0x3FB5]  }
0x2f: {  	lr =	sadd.s32 s0, s3;
	s0 =	sld [smem:$0x3FAC]  }
0x30: {  	s3 =	sld [smem:$0x3FAF]  }
0x31: {  	[smem:$0x3FB8] =	sst s10  }
0x32: {  	s10 =	sld [smem:$0x3FB6];
	_ =	sdelay $0x3  }
0x33: {  	p0 =	seq.s32 s10, $0x1;
	s10 =	sld [smem:$0x3FB8];
	_ =	sdelay $0x3  }
0x34: {  	[smem:$0x3FB8] =	sst s10  }
0x35: {  	s10 =	sld [smem:$0x3FB7];
	_ =	sdelay $0x3  }
0x36: {  	p1 =	seq.s32 s10, $0x1;
	s10 =	sld [smem:$0x3FB8];
	_ =	sdelay $0x3  }
0x37: {  	[smem:$0x3FB8] =	sst s10  }
0x38: {  	s10 =	sld [smem:$0x3FB9]  }
0x39: {  	_ = 	snop;
	(pc) =	sbr.ind lr, $3  }
0x3a: {  	_ = 	snop  }
0x3b: {  	_ = 	snop  }
0x3c: {  	p2 =	seq.s32 s10, $0x1;
	s10 =	sld [smem:$0x3FB8]  }
0x3d: {  	_ =	shalt  }
0x3e: {  	_ =	shalt  }
0x3f: {  	_ =	shalt  }
0x40: {  	_ =	shalt  }
0x41: {  	_ =	shalt  }
0x42: {  	_ =	shalt  }
0x43: {  	_ =	shalt  }
0x44: {  	_ =	shalt  }
0x45: {  	_ =	shalt  }
0x46: {  	_ =	shalt  }
0x47: {  	_ =	shalt  }
0x48: {  	_ =	shalt  }
0x49: {  	_ =	shalt  }
0x4a: {  	_ =	shalt  }
0x4b: {  	_ =	shalt  }
0x4c: {  	_ =	shalt  }
0x4d: {  	_ =	shalt  }
0x4e: {  	_ =	shalt  }
0x4f: {  	_ =	shalt  }
0x50: {  	_ =	shalt  }
0x51: {  	_ =	shalt  }
0x52: {  	_ =	shalt  }
0x53: {  	_ =	shalt  }
0x54: {  	_ =	shalt  }
0x55: {  	_ =	shalt  }
0x56: {  	_ =	shalt  }
0x57: {  	_ =	shalt  }
0x58: {  	_ =	shalt  }
0x59: {  	_ =	shalt  }
0x5a: {  	_ =	shalt  }
0x5b: {  	_ =	shalt  }
0x5c: {  	_ =	shalt  }
0x5d: {  	_ =	shalt  }
0x5e: {  	_ =	shalt  }
0x5f: {  	_ =	shalt  }
0x60: {  	_ =	shalt  }
0x61: {  	_ =	shalt  }
0x62: {  	_ =	shalt  }
0x63: {  	_ =	shalt  }
0x64: {  	_ =	shalt  }
0x65: {  	_ =	shalt  }
0x66: {  	_ =	shalt  }
0x67: {  	_ =	shalt  }
0x68: {  	_ =	shalt  }
0x69: {  	_ =	shalt  }
0x6a: {  	_ =	shalt  }
0x6b: {  	_ =	shalt  }
0x6c: {  	_ =	shalt  }
0x6d: {  	_ =	shalt  }
0x6e: {  	_ =	shalt  }
0x6f: {  	_ =	shalt  }
0x70: {  	_ =	shalt  }
0x71: {  	_ =	shalt  }
0x72: {  	_ =	shalt  }
0x73: {  	_ =	shalt  }
0x74: {  	_ =	shalt  }
0x75: {  	_ =	shalt  }
0x76: {  	_ =	shalt  }
0x77: {  	_ =	shalt  }
0x78: {  	_ =	shalt  }
0x79: {  	_ =	shalt  }
0x7a: {  	_ =	shalt  }
0x7b: {  	_ =	shalt  }
0x7c: {  	_ =	shalt  }
0x7d: {  	_ =	shalt  }
0x7e: {  	_ =	shalt  }
0x7f: {  	_ =	shalt  }
0x80: {  	_ =	shalt  }
0x81: {  	_ =	shalt  }
0x82: {  	_ =	shalt  }
0x83: {  	_ =	shalt  }
0x84: {  	_ =	shalt  }
0x85: {  	_ =	shalt  }
0x86: {  	_ =	shalt  }
0x87: {  	_ =	shalt  }
.Lfunc_end0:
.L_simem_size_0:
called_computation.2_lowered:
.L_overlay_start_0:
0x88: {  	s2 =	sld [smem:$0x3FD9]  }
0x89: {  	s3 =	sld [smem:$0x3FFE];
	_ =	sdelay $0x1  }
0x8a: {  	s1 =	srdreg.scid  }
0x8b: {  	s0 =	sand.u32 $0x1, s1  }
0x8c: {  	s17 =	sshll.u32 s0, $0xA;
	s2 =	sadd.s32 s3, s2  }
0x8d: {  	s2 =	sadd.s32 s2, s17  }
0x8e: {  	[smem:$0x3FC4] =	sst s2  }
0x8f: {  	_ = 	snop  }
0x90: {  	(tm) =	ssettm $0x1  }
0x91: {  	s18 =	sld [smem:$0x3FFB];
	_ =	sdelay $0x3  }
0x92: {  	_ =	strace s18  }
0x93: {  	s2 =	sld [smem:$0x3FFC];
	_ =	sdelay $0x3  }
0x94: {  	_ =	strace s2  }
0x95: {  	s2 =	sld [smem:$0x3FFD];
	_ =	sdelay $0x3  }
0x96: {  	_ =	strace s2  }
0x97: {  	_ =	strace $0x8FFFFFFF  }
0x98: {  	s19 =	sld [smem:$0x3FDB];
	_ =	sdelay $0x1  }
0x99: {  	s20 =	simm.s32 $_scs_section_size  }
0x9a: {  	s4 =	simm.s32 $_size__tile_overlayer_lowered;
	s5 =	simm.s32 $_tile_overlayer_lowered  }
0x9b: {  	s6 =	simm.s32 $0x1BFF;
	s21 =	sshll.u32 s5, $0x1;
	s3 =	sadd.s32 s20, s19  }
0x9c: {  	s22 =	simm.s32 $0x0;
	s4 =	sshll.u32 s4, $0x1;
	s5 =	sadd.s32 s21, s3  }
0x9d: {  	[timem:s22], [sflag:s6] =	dma.local [hbm:s5], s4  }
0x9e: {  	_ =	swait.ge [sflag:s6], s4  }
0x9f: {  	s4 =	ssub.s32 $0x0, s4;
	[sflag:s6] =	ssyncset.done $0x0  }
0xa0: {  	[sflag:s6] =	ssyncadd.s32 s4;
	_ =	sdelay $0x1  }
0xa1: {  	s23 =	simm.s32 $0x1B8B  }
0xa2: {  	_ =	swait.ge [sflag:s23], $0x1  }
0xa3: {  	[sflag:s23] =	ssyncset.done $0x0  }
0xa4: {  	[sflag:s23] =	ssyncadd.s32 $0xFFFFFFFF  }
0xa5: {  	s4 =	sld [smem:$0x0]  }
0xa6: {  	s5 =	sand.u32 $0xFFFFFFFE, s1  }
0xa7: {  	p0 =	sne.s32 s1, s5  }
0xa8: {  	s5 =	sshll.u32 @p0 s5, $0xE  }
0xa9: {  	s5 =	sadd.s32 @p0 $0x11B8D, s5;
	s6 =	sshll.u32 @p0 s4, $0x11  }
0xaa: {  	s5 =	sor.u32 @p0 s6, s5  }
0xab: {  	[sflag:s5] =	ssyncadd.remote.s32 @p0 $0x1;
	_ =	sdelay $0x1  }
0xac: {  	s5 =	simm.s32 @p0 $0x1B8D  }
0xad: {  	_ =	swait.eq @p0 [sflag:s5], $0x1  }
0xae: {  	[sflag:s5] =	ssyncadd.s32 @p0 $0xFFFFFFFF  }
0xaf: {  	s6 =	sshll.u32 @!p0 s1, $0xE  }
0xb0: {  	s6 =	sor.u32 @!p0 $0x4000, s6;
	s5 =	simm.s32 @!p0 $0x1B8D  }
0xb1: {  	s4 =	sshll.u32 @!p0 s4, $0x11;
	s6 =	sadd.s32 @!p0 $0x11B8D, s6;
	_ =	swait.eq @!p0 [sflag:s5], $0x1  }
0xb2: {  	s4 =	sor.u32 @!p0 s4, s6;
	[sflag:s5] =	ssyncadd.s32 @!p0 $0xFFFFFFFF  }
0xb3: {  	s25 =	simm.s32 $0x1B8E;
	s24 =	sld [smem:$0x3FFE];
	[sflag:s4] =	ssyncadd.remote.s32 @!p0 $0x1  }
0xb4: {  	s26 =	simm.s32 $execute0_lowered;
	[smem:$0x3FD2] =	sst s25  }
0xb5: {  	s5 =	sshll.u32 s26, $0x1;
	_ =	strace $0x80000049;
	[dreg:$0x1] =	wrdreg $0xFFFFFFFF  }
0xb6: {  	s28 =	simm.s32 $_size_execute0_lowered;
	s3 =	sadd.s32 s3, s5;
	[dreg:$0x0] =	wrdreg $0x0  }
0xb7: {  	s5 =	sshll.u32 s28, $0x1;
	[dreg:$0x2] =	wrdreg s3  }
0xb8: {  	[dreg:$0x3] =	wrdreg s5  }
0xb9: {  	[dreg:$0x4] =	wrdreg $0xC0  }
0xba: {  	_ =	task [dreg:s22], $0x5FFFF  }
0xbb: {  	[dreg:$0x1] =	wrdreg $0xFFFFFFFF  }
0xbc: {  	[dreg:$0x0] =	wrdreg $0x60  }
0xbd: {  	[dreg:$0x2] =	wrdreg s24  }
0xbe: {  	[dreg:$0x3] =	wrdreg $0xA  }
0xbf: {  	_ =	task.clear_ibuf [dreg:s22], $0x4FFFF;
	_ =	strace $0x90000049  }
0xc0: {  	s29 =	simm.s32 $0xA;
	_ =	strace $0x8000004B  }
0xc1: {  	_ =	swait.ge [sflag:s29], $0x1  }
0xc2: {  	[sflag:s29] =	ssyncadd.s32 $0xFFFFFFFF  }
0xc3: {  	_ =	strace $0x9000004B  }
0xc4: {  	_ =	sfence  }
0xc5: {  	s30 =	sld [smem:$0x0];
	_ =	sdelay $0x2  }
0xc6: {  	s31 =	sshll.u32 s1, $0xD;
	s1 =	sshrl.u32 s1, $0x2  }
0xc7: {  	s4 =	sand.u32 $0x4000, s31;
	s1 =	sadd.s32 s1, s30  }
0xc8: {  	s0 =	sor.u32 s4, s0;
	s1 =	sshll.u32 s1, $0x11  }
0xc9: {  	s0 =	sor.u32 s1, s0  }
0xca: {  	s0 =	sadd.s32 $0x8F2B, s0  }
0xcb: {  	[sflag:s0] =	ssyncadd.remote.s32 $0x1  }
0xcc: {  	_ =	sfence.sel $0xFFFF  }
0xcd: {  	[dreg:$0x0] =	wrdreg $0xFFFFFFFF;
	(pc) =	sbr.abs _section_cstart, $3  }
0xce: {  	[dreg:$0x1] =	wrdreg $0xFFFFFFFF  }
0xcf: {  	_ =	task.clear_ibuf [dreg:s22], $0x2FFFF;
	_ =	strace $0x9FFFFFFF  }
0xd0: {  	(tm) =	ssettm $0x7FFFFFFF  }
0xd1: {  	_ =	shalt  }
tec
execute0_lowered:
.L_overlay_start_1:
0x0: {  	(tag) =	ssettag $0x1  }
0x1: {  	s6 =	rddreg [dreg:$0x0]  }
0x2: {  	s0 =	rddreg [dreg:$0x1]  }
0x3: {  	s2 =	simm.s32 $0x0;
	s3 =	srdreg.scid;
	s1 =	stileid.u32  }
0x4: {  	s10 =	simm.s32 $0x400;
	s11 =	simm.s32 $0x1;
	s12 =	simm.s32 $0x9C80  }
0x5: {  	s13 =	simm.s32 $0x13900;
	s14 =	simm.s32 $0x0;
	s19 =	simm.s32 $0x9CA0  }
0x6: {  	[smem:$0x7FF] =	sst s2;
	s5 =	sand.u32 $0x1, s3;
	s3 =	sshll.u32 s1, $0x1  }
0x7: {  	s4 =	sadd.s32 $0x30F400, s6;
	_ =	strace $0x8000004A;
	s7 =	ssub.s32 $0x2, s5  }
0x8: {  	s9 =	sor.u32 s5, s3;
	s5 =	sadd.s32 $0x1D6400, s6;
	s8 =	sshrl.u32 s7, $0x1  }
0x9: {  	s6 =	sadd.s32 $0x272C00, s6;
	s31 =	sshll.u32 s9, $0x7;
	s8 =	ssub.s32 s7, s8  }
0xa: {  	v0 =	vimm.s32 $0x0;
	v1 =	vimm.s32 $0x1;
	s9 =	simm.s32 $0x80;
	s7 =	sand.u32 $0x380, s31;
	s8 =	smax.u32 s8, $0x1  }
.LBB2_1:
0xb: {  	s15 =	simm.s32 $0x0  }
.LBB2_2:
0xc: {  	s16 =	sshll.u32 s15, $0x5  }
0xd: {  	s16 =	sor.u32 s3, s16  }
0xe: {  	s16 =	sshrl.u32 s16, $0x3  }
0xf: {  	s16 =	smul.u32 $0x4E400, s16;
	_ =	sdelay $0x1  }
0x10: {  	s16 =	sor.u32 s7, s16  }
0x11: {  	s16 =	sshrl.u32 s16, $0x3  }
0x12: {  	s17 =	sadd.s32 s5, s16  }
0x13: {  	[tilespmem:s2], [sflag:$0x1] =	stream.strided.gather [hbm4b:s17+s9], $0x9C80, s10, s9, $0x38;
	[tilespmem:$0x1D580] =	vst v63  }
0x14: {  	_ =	swait.ge [sflag:s11], $0x9C80  }
0x15: {  	[sflag:s11] =	ssyncset.done $0x0  }
0x16: {  	s31 =	sadd.s32 s4, s16;
	[sflag:s11] =	ssyncadd.s32 $0xFFFF6380  }
0x17: {  	[tilespmem:s12], [sflag:$0x1] =	stream.strided.gather [hbm4b:s31+s9], $0x9C80, s10, s9, $0x38;
	[tilespmem:$0x1D580] =	vst v63  }
0x18: {  	_ =	swait.ge [sflag:s11], $0x9C80  }
0x19: {  	[sflag:s11] =	ssyncset.done $0x0  }
0x1a: {  	s17 =	simm.s32 $0x13920;
	[sflag:s11] =	ssyncadd.s32 $0xFFFF6380  }
0x1b: {  	[tilespmem:s17+$0xFFFFFFE0] =	vst v0  }
0x1c: {  	[tilespmem:s17+$0x10] =	vst v0  }
0x1d: {  	s18 =	simm.s32 $0x0;
	[tilespmem:s17+$0x0] =	vst v0  }
.LBB2_3:
0x1e: {  	s18 =	sadd.s32 $0x40, s18  }
0x1f: {  	[tilespmem:s17+$0xFFFFFFF0] =	vst v0;
	s17 =	sadd.s32 $0x40, s17;
	p0 =	slt.u32 s18, $0x9C40  }
.Ltmp0:
0x20: {  	[tilespmem:s17+$0xFFFFFFE0] =	vst v0;
	(pc) =	sbr.rel @p0 .LBB2_3-.Ltmp0, $3  }
0x21: {  	_ =	sdelay $0x1  }
0x22: {  	[tilespmem:s17+$0x10] =	vst v0  }
0x23: {  	[tilespmem:s17+$0x0] =	vst v0  }
0x24: {  	[tilespmem:s17+$0xFFFFFFF0] =	vst v0  }
0x25: {  	v2 =	vld [tilespmem:s19+$0x10]  }
0x26: {  	v10 =	vld [tilespmem:s19+$0xFFFFFFF0]  }
0x27: {  	v13 =	vld [tilespmem:s19+$0xFFFFFFE0]  }
0x28: {  	v11 =	vld [tilespmem:s19+$0x0];
	_ =	sdelay $0x2  }
0x29: {  	v3 =	vmul.f32 $4.000000000e+04, v2  }
0x2a: {  	v4 =	vmul.f32 $4.000000000e+04, v10;
	v6 =	vmul.f32 $4.000000000e+04, v13  }
0x2b: {  	v5 =	vmul.f32 $4.000000000e+04, v11;
	v3 =	vtrunc.f32 v3  }
0x2c: {  	v6 =	vtrunc.f32 v6;
	v3 =	vcvt.f32.s32 v3  }
0x2d: {  	v4 =	vtrunc.f32 v4;
	v6 =	vcvt.f32.s32 v6  }
0x2e: {  	v5 =	vtrunc.f32 v5;
	v4 =	vcvt.f32.s32 v4;
	vm0 =	vlt.s32 v3, $0x9C3F  }
0x2f: {  	v5 =	vcvt.f32.s32 v5;
	vm1 =	vlt.s32 v6, $0x9C3F;
	v7 =	vnsel vm0, $0x9C3F, v3  }
0x30: {  	vm0 =	vlt.s32 v4, $0x9C3F;
	v9 =	vnsel vm1, $0x9C3F, v6;
	v8 =	vadd.s32 $0xFFFFFFFF, v7  }
0x31: {  	v12 =	vnsel vm0, $0x9C3F, v4;
	vm0 =	vlt.s32 v5, $0x9C3F;
	v15 =	vadd.s32 $0xFFFFFFFF, v9  }
0x32: {  	v18 =	vadd.s32 $0x1, v7;
	vm2 =	vgt.s32 v8, $0x0;
	v16 =	vadd.s32 $0xFFFFFFFF, v12  }
0x33: {  	v17 =	vnsel vm0, $0x9C3F, v5;
	vm0 =	vgt.s32 v15, $0x0;
	v14 =	vnsel vm2, $0x0, v8  }
0x34: {  	v19 =	vadd.s32 $0xFFFFFFFF, v17;
	v20 =	vnsel vm0, $0x0, v15;
	vm0 =	vgt.s32 v16, $0x0  }
0x35: {  	vm1 =	vgt.s32 v19, $0x0;
	v21 =	vnsel vm0, $0x0, v16;
	v7 =	vld.idx.msk [tilespmem:v7+s2+$0x0], $0xffff  }
0x36: {  	v22 =	vnsel vm1, $0x0, v19;
	v23 =	vld.idx.msk [tilespmem:v9+s2+$0x0], $0xffff;
	vm1 =	veq.s32 v6, $0x0;
	v6 =	vadd.s32 $0x1, v12  }
0x37: {  	v18 =	vld.idx.msk [tilespmem:v18+s2+$0x0], $0xffff  }
0x38: {  	v14 =	vld.idx.msk [tilespmem:v14+s2+$0x0], $0xffff  }
0x39: {  	v20 =	vld.idx.msk [tilespmem:v20+s2+$0x0], $0xffff  }
0x3a: {  	v24 =	vadd.s32 $0x1, v9;
	v9 =	vld.idx.msk [tilespmem:v21+s2+$0x0], $0xffff  }
0x3b: {  	vm3 =	veq.s32 v3, $0x0;
	v21 =	vadd.s32 $0x1, v17;
	v30 =	vld.idx.msk [tilespmem:v6+s2+$0x0], $0xffff  }
0x3c: {  	s31 =	simm.s32 $0x9CE0;
	vm2 =	veq.s32 v5, $0x0;
	vm0 =	veq.s32 v4, $0x0;
	v12 =	vld.idx.msk [tilespmem:v12+s2+$0x0], $0xffff;
	vm5 =	vle.f32 v7, v2  }
0x3d: {  	v5 =	vld [tilespmem:s31+$0x10];
	vm6 =	vle.f32 v23, v13;
	v3 =	vsel vm5, $0x1, v0;
	vm4 =	vle.f32 v14, v2  }
0x3e: {  	v22 =	vld.idx.msk [tilespmem:v22+s2+$0x0], $0xffff;
	v3 =	vadd.s32 v3, v8;
	vm3 =	vmor vm3, vm4;
	vm4 =	vle.f32 v20, v13  }
0x3f: {  	v7 =	vld.idx.msk [tilespmem:v17+s2+$0x0], $0xffff;
	v4 =	vsel vm3, $0x1, v0;
	vm3 =	vle.f32 v18, v2;
	vm1 =	vmor vm1, vm4  }
0x40: {  	v21 =	vld.idx.msk [tilespmem:v21+s2+$0x0], $0xffff;
	vm4 =	vle.f32 v30, v10;
	v8 =	vsel vm3, $0x1, v0;
	v3 =	vadd.s32 v4, v3  }
0x41: {  	v2 =	vld [tilespmem:s31+$0xFFFFFFF0];
	vm3 =	vle.f32 v9, v10;
	v17 =	vsel vm1, $0x1, v0;
	vm1 =	vle.f32 v12, v10  }
0x42: {  	v4 =	vld [tilespmem:s31+$0x0];
	v9 =	vmul.f32 $4.000000000e+04, v5;
	v14 =	vadd.s32 v8, v3;
	v8 =	vsel vm6, $0x1, v0  }
0x43: {  	v3 =	vld [tilespmem:s31+$0xFFFFFFE0];
	vm0 =	vmor vm0, vm3;
	vm3 =	vle.f32 v22, v11;
	v12 =	vsel vm1, $0x1, v0  }
0x44: {  	vm1 =	vle.f32 v7, v11;
	vm2 =	vmor vm2, vm3;
	v9 =	vtrunc.f32 v9  }
0x45: {  	v18 =	vsel vm0, $0x1, v0;
	v20 =	vsel vm1, $0x1, v0;
	v26 =	vcvt.f32.s32 v9  }
0x46: {  	v27 =	vadd.s32 v8, v15;
	v23 =	vsel vm2, $0x1, v0;
	v7 =	vmul.f32 $4.000000000e+04, v2  }
0x47: {  	vm5 =	vle.f32 v21, v11;
	v22 =	vmul.f32 $4.000000000e+04, v4;
	vm0 =	vlt.s32 v26, $0x9C3F  }
0x48: {  	v25 =	vmul.f32 $4.000000000e+04, v3;
	v7 =	vtrunc.f32 v7;
	v15 =	vnsel vm0, $0x9C3F, v26  }
0x49: {  	v8 =	vtrunc.f32 v22;
	v7 =	vcvt.f32.s32 v7;
	v22 =	vadd.s32 v12, v16  }
0x4a: {  	v24 =	vld.idx.msk [tilespmem:v24+s2+$0x0], $0xffff;
	v32 =	vadd.s32 $0x1, v15;
	v9 =	vtrunc.f32 v25;
	v16 =	vcvt.f32.s32 v8  }
0x4b: {  	v12 =	vcvt.f32.s32 v9;
	vm1 =	vlt.s32 v7, $0x9C3F;
	v9 =	vadd.s32 $0xFFFFFFFF, v15  }
0x4c: {  	vm0 =	veq.s32 v7, $0x0;
	vm3 =	vgt.s32 v9, $0x0;
	v28 =	vnsel vm1, $0x9C3F, v7  }
0x4d: {  	vm1 =	vlt.s32 v16, $0x9C3F;
	vm2 =	vlt.s32 v12, $0x9C3F;
	v29 =	vnsel vm3, $0x0, v9  }
0x4e: {  	v7 =	vadd.s32 $0xFFFFFFFF, v28;
	v31 =	vnsel vm1, $0x9C3F, v16;
	v63 =	vnsel vm2, $0x9C3F, v12  }
0x4f: {  	vm3 =	vle.f32 v24, v13;
	v13 =	vadd.s32 v20, v19;
	v8 =	vadd.s32 $0xFFFFFFFF, v63  }
0x50: {  	[tilespmem:v14+s13+$0x0] =	vst.idx.add.s32.msk $0xffff, v1;
	v19 =	vadd.s32 v17, v27;
	v6 =	vadd.s32 $0xFFFFFFFF, v31;
	vm1 =	vgt.s32 v8, $0x0  }
0x51: {  	v35 =	vld.idx.msk [tilespmem:v15+s2+$0x0], $0xffff;
	v10 =	vsel vm3, $0x1, v0;
	v33 =	vnsel vm1, $0x0, v8;
	vm1 =	vgt.s32 v7, $0x0  }
0x52: {  	vm2 =	vgt.s32 v6, $0x0;
	v11 =	vadd.s32 v10, v19;
	v19 =	vld.idx.msk [tilespmem:v28+s2+$0x0], $0xffff;
	v34 =	vnsel vm1, $0x0, v7  }
0x53: {  	v36 =	vnsel vm2, $0x0, v6;
	v29 =	vld.idx.msk [tilespmem:v29+s2+$0x0], $0xffff  }
0x54: {  	v21 =	vadd.s32 v18, v22;
	v15 =	vadd.s32 $0x1, v28;
	v25 =	vld.idx.msk [tilespmem:v63+s2+$0x0], $0xffff  }
0x55: {  	v22 =	vadd.s32 v23, v13;
	v13 =	vsel vm4, $0x1, v0;
	vm1 =	veq.s32 v16, $0x0;
	v16 =	vld.idx.msk [tilespmem:v32+s2+$0x0], $0xffff  }
0x56: {  	v23 =	vsel vm5, $0x1, v0;
	vm4 =	veq.s32 v26, $0x0;
	v14 =	vadd.s32 $0x1, v63;
	v20 =	vld.idx.msk [tilespmem:v33+s2+$0x0], $0xffff  }
0x57: {  	v13 =	vadd.s32 v13, v21;
	v10 =	vadd.s32 v23, v22;
	vm2 =	veq.s32 v12, $0x0;
	v17 =	vld.idx.msk [tilespmem:v34+s2+$0x0], $0xffff  }
0x58: {  	v12 =	vadd.s32 $0x1, v31;
	vm6 =	vle.f32 v35, v5;
	v18 =	vld.idx.msk [tilespmem:v36+s2+$0x0], $0xffff;
	vm5 =	vle.f32 v29, v5  }
0x59: {  	s17 =	simm.s32 $0x40;
	s18 =	simm.s32 $0x9D20;
	v21 =	vld.idx.msk [tilespmem:v31+s2+$0x0], $0xffff;
	v22 =	vsel vm6, $0x1, v0;
	vm3 =	vle.f32 v25, v3;
	vm4 =	vmor vm4, vm5  }
.LBB2_5:
0x5a: {  	s17 =	sadd.s32 $0x40, s17;
	v23 =	vsel vm4, $0x1, v0;
	vm4 =	vle.f32 v16, v5;
	v5 =	vld [tilespmem:s18+$0x10];
	v9 =	vadd.s32 v22, v9  }
0x5b: {  	vm5 =	vle.f32 v20, v3;
	v22 =	vld [tilespmem:s18+$0xFFFFFFF0];
	p0 =	slt.u32 s17, $0x9C00;
	v16 =	vsel vm4, $0x1, v0;
	v9 =	vadd.s32 v23, v9  }
0x5c: {  	vm2 =	vmor vm2, vm5;
	vm4 =	vle.f32 v17, v2;
	v23 =	vld [tilespmem:s18+$0x0];
	v9 =	vadd.s32 v16, v9  }
0x5d: {  	v17 =	vsel vm3, $0x1, v0;
	vm0 =	vmor vm0, vm4;
	vm3 =	vle.f32 v18, v4;
	v16 =	vld [tilespmem:s18+$0xFFFFFFE0]  }
0x5e: {  	v20 =	vsel vm2, $0x1, v0;
	vm2 =	vle.f32 v19, v2;
	vm1 =	vmor vm1, vm3;
	v18 =	vld.idx.msk [tilespmem:v14+s2+$0x0], $0xffff  }
0x5f: {  	v14 =	vmul.f32 $4.000000000e+04, v5;
	v19 =	vld.idx.msk [tilespmem:v15+s2+$0x0], $0xffff;
	v15 =	vsel vm2, $0x1, v0;
	vm2 =	vle.f32 v21, v4  }
0x60: {  	v24 =	vsel vm0, $0x1, v0;
	v21 =	vmul.f32 $4.000000000e+04, v22;
	v25 =	vld.idx.msk [tilespmem:v12+s2+$0x0], $0xffff;
	v26 =	vsel vm2, $0x1, v0  }
0x61: {  	v27 =	vsel vm1, $0x1, v0;
	v12 =	vmul.f32 $4.000000000e+04, v23;
	v14 =	vtrunc.f32 v14;
	[tilespmem:v9+s13+$0x0] =	vst.idx.add.s32.msk $0xffff, v1  }
0x62: {  	v17 =	vadd.s32 v17, v8;
	v9 =	vmul.f32 $4.000000000e+04, v16;
	v28 =	vcvt.f32.s32 v14;
	[tilespmem:v11+s13+$0x0] =	vst.idx.add.s32.msk $0xffff, v1  }
0x63: {  	v8 =	vtrunc.f32 v21;
	v21 =	vadd.s32 v15, v7;
	v11 =	vtrunc.f32 v12;
	[tilespmem:v13+s13+$0x0] =	vst.idx.add.s32.msk $0xffff, v1  }
0x64: {  	v8 =	vcvt.f32.s32 v8;
	v7 =	vtrunc.f32 v9;
	vm0 =	vlt.s32 v28, $0x9C3F;
	[tilespmem:v10+s13+$0x0] =	vst.idx.add.s32.msk $0xffff, v1  }
0x65: {  	v11 =	vcvt.f32.s32 v11;
	v10 =	vcvt.f32.s32 v7;
	v12 =	vnsel vm0, $0x9C3F, v28  }
0x66: {  	vm1 =	vlt.s32 v8, $0x9C3F;
	vm0 =	veq.s32 v8, $0x0;
	v9 =	vadd.s32 $0xFFFFFFFF, v12  }
0x67: {  	vm3 =	vlt.s32 v11, $0x9C3F;
	vm2 =	vlt.s32 v10, $0x9C3F;
	vm4 =	vgt.s32 v9, $0x0  }
0x68: {  	v29 =	vnsel vm1, $0x9C3F, v8;
	v13 =	vnsel vm2, $0x9C3F, v10;
	v30 =	vnsel vm4, $0x0, v9  }
0x69: {  	v7 =	vadd.s32 $0xFFFFFFFF, v29;
	v31 =	vnsel vm3, $0x9C3F, v11;
	v8 =	vadd.s32 $0xFFFFFFFF, v13  }
0x6a: {  	v33 =	vadd.s32 $0x1, v12;
	v32 =	vadd.s32 $0xFFFFFFFF, v31;
	vm1 =	vgt.s32 v8, $0x0  }
0x6b: {  	vm2 =	vgt.s32 v32, $0x0;
	v34 =	vnsel vm1, $0x0, v8;
	vm1 =	vgt.s32 v7, $0x0  }
0x6c: {  	v14 =	vadd.s32 $0x1, v13;
	v36 =	vnsel vm2, $0x0, v32;
	v35 =	vnsel vm1, $0x0, v7;
	v37 =	vld.idx.msk [tilespmem:v12+s2+$0x0], $0xffff  }
0x6d: {  	v15 =	vadd.s32 $0x1, v29;
	vm2 =	veq.s32 v10, $0x0;
	v12 =	vadd.s32 $0x1, v31;
	v30 =	vld.idx.msk [tilespmem:v30+s2+$0x0], $0xffff  }
0x6e: {  	v6 =	vadd.s32 v26, v6;
	vm3 =	vle.f32 v18, v3;
	v3 =	vmovc v16;
	vm1 =	veq.s32 v11, $0x0;
	v38 =	vld.idx.msk [tilespmem:v13+s2+$0x0], $0xffff  }
0x6f: {  	vm5 =	vle.f32 v25, v4;
	vm4 =	vle.f32 v19, v2;
	v10 =	vadd.s32 v20, v17;
	v16 =	vld.idx.msk [tilespmem:v33+s2+$0x0], $0xffff  }
.Ltmp1:
0x70: {  	v18 =	vsel vm3, $0x1, v0;
	v19 =	vadd.s32 v27, v6;
	v2 =	vmovc v22;
	v13 =	vadd.s32 v24, v21;
	v20 =	vld.idx.msk [tilespmem:v34+s2+$0x0], $0xffff;
	(pc) =	sbr.rel @p0 .LBB2_5-.Ltmp1, $4  }
0x71: {  	v4 =	vmovc v23;
	v6 =	vmovc v32;
	v11 =	vadd.s32 v18, v10;
	v10 =	vsel vm4, $0x1, v0;
	v21 =	vsel vm5, $0x1, v0;
	v17 =	vld.idx.msk [tilespmem:v35+s2+$0x0], $0xffff  }
0x72: {  	v13 =	vadd.s32 v10, v13;
	v10 =	vadd.s32 v21, v19;
	v18 =	vld.idx.msk [tilespmem:v36+s2+$0x0], $0xffff  }
0x73: {  	vm4 =	veq.s32 v28, $0x0;
	vm6 =	vle.f32 v37, v5;
	vm5 =	vle.f32 v30, v5;
	v19 =	vld.idx.msk [tilespmem:v29+s2+$0x0], $0xffff  }
0x74: {  	s18 =	sadd.s32 $0x40, s18;
	v22 =	vsel vm6, $0x1, v0;
	vm3 =	vle.f32 v38, v3;
	vm4 =	vmor vm4, vm5;
	v21 =	vld.idx.msk [tilespmem:v31+s2+$0x0], $0xffff  }
0x75: {  	_ =	sdelay $0x1  }
0x76: {  	v23 =	vsel vm4, $0x1, v0  }
0x77: {  	vm8 =	vle.f32 v16, v5;
	v52 =	vadd.s32 v22, v9;
	vm5 =	vle.f32 v20, v3  }
0x78: {  	v14 =	vld.idx.msk [tilespmem:v14+s2+$0x0], $0xffff;
	v54 =	vsel vm3, $0x1, v0;
	v53 =	vsel vm8, $0x1, v0;
	v5 =	vadd.s32 v23, v52  }
0x79: {  	v15 =	vld.idx.msk [tilespmem:v15+s2+$0x0], $0xffff;
	vm2 =	vmor vm2, vm5;
	vm9 =	vle.f32 v17, v2;
	v8 =	vadd.s32 v54, v8  }
0x7a: {  	v12 =	vld.idx.msk [tilespmem:v12+s2+$0x0], $0xffff;
	v5 =	vadd.s32 v53, v5;
	vm0 =	vmor vm0, vm9;
	vm10 =	vle.f32 v18, v4  }
0x7b: {  	v55 =	vsel vm2, $0x1, v0;
	vm11 =	vle.f32 v19, v2;
	vm1 =	vmor vm1, vm10  }
0x7c: {  	v57 =	vsel vm0, $0x1, v0;
	v60 =	vadd.s32 v55, v8;
	vm12 =	vle.f32 v21, v4  }
0x7d: {  	v56 =	vsel vm11, $0x1, v0;
	v59 =	vsel vm1, $0x1, v0;
	v58 =	vsel vm12, $0x1, v0  }
0x7e: {  	v7 =	vadd.s32 v56, v7;
	vm13 =	vle.f32 v14, v3;
	vm14 =	vle.f32 v15, v2  }
0x7f: {  	vm15 =	vle.f32 v12, v4;
	v3 =	vadd.s32 v58, v6;
	v2 =	vsel vm13, $0x1, v0  }
0x80: {  	v61 =	vadd.s32 v57, v7;
	v62 =	vsel vm14, $0x1, v0;
	v2 =	vadd.s32 v2, v60  }
0x81: {  	[tilespmem:v11+s13+$0x0] =	vst.idx.add.s32.msk $0xffff, v1;
	v63 =	vsel vm15, $0x1, v0;
	v3 =	vadd.s32 v59, v3;
	v4 =	vadd.s32 v62, v61  }
0x82: {  	[tilespmem:v13+s13+$0x0] =	vst.idx.add.s32.msk $0xffff, v1;
	v3 =	vadd.s32 v63, v3  }
0x83: {  	[tilespmem:v10+s13+$0x0] =	vst.idx.add.s32.msk $0xffff, v1  }
0x84: {  	[tilespmem:v5+s13+$0x0] =	vst.idx.add.s32.msk $0xffff, v1  }
0x85: {  	s15 =	sadd.s32 $0x1, s15;
	[tilespmem:v2+s13+$0x0] =	vst.idx.add.s32.msk $0xffff, v1  }
0x86: {  	p0 =	sne.s32 s15, $0x4;
	[tilespmem:v4+s13+$0x0] =	vst.idx.add.s32.msk $0xffff, v1  }
.Ltmp2:
0x87: {  	s16 =	sadd.s32 s6, s16;
	[tilespmem:v3+s13+$0x0] =	vst.idx.add.s32.msk $0xffff, v1;
	(pc) =	sbr.rel @p0 .LBB2_2-.Ltmp2, $4  }
0x88: {  	[hbm4b:s16+s9] =	stream.strided.scatter [tilespmem:s13], [sflag:$0x1], $0x9C80, s10, s9, $0x38;
	[tilespmem:$0x1D580] =	vst v63  }
0x89: {  	_ =	swait.ge [sflag:s11], $0x9C80  }
0x8a: {  	[sflag:s11] =	ssyncset.done $0x0  }
0x8b: {  	[sflag:s11] =	ssyncadd.s32 $0xFFFF6380  }
0x8c: {  	s14 =	sadd.s32 $0x1, s14  }
0x8d: {  	p0 =	sne.s32 s14, s8  }
.Ltmp3:
0x8e: {  	_ = 	snop;
	(pc) =	sbr.rel @p0 .LBB2_1-.Ltmp3, $1  }
0x8f: {  	_ =	sdelay $0x3  }
0x90: {  	_ =	sfence.sel $0x180000  }
0x91: {  	[bflag:$0x0] =	sbarrier.arrive $0xFFFF  }
0x92: {  	p0 =	sne.s32 s1, $0x0;
	_ =	strace $0x9000004A  }
0x93: {  	s0 =	sadd.s32 @!p0 $0x100000, s0;
	[bflag:$0x2] =	sbarrier.arrive $0xFFFF  }
0x94: {  	[sflag:s0] =	ssyncadd.tile.s32 @!p0 $0x1;
	_ =	shalt  }
.Lfunc_end2:
_tile_overlayer_lowered:
.L_overlay_start_2:
0x95: {  	(tag) =	ssettag $0x2  }
0x96: {  	s0 =	rddreg [dreg:$0x0];
	s2 =	stileid.u32  }
0x97: {  	s1 =	rddreg [dreg:$0x1];
	p0 =	sne.s32 s2, $0x0  }
0x98: {  	s3 =	rddreg [dreg:$0x2];
	[bflag:$0x3] =	sbarrier.arrive $0xFFFF;
	s2 =	simm.s32 @!p0 $0x1C01  }
0x99: {  	[timem:s3], [sflag:s2] =	dma.local @!p0 [hbm:s0], s1  }
0x9a: {  	s0 =	simm.s32 @!p0 $0x1  }
0x9b: {  	_ =	swait.ge @!p0 [sflag:s0], s1  }
0x9c: {  	s1 =	ssub.s32 @!p0 $0x0, s1;
	[sflag:s0] =	ssyncset.done @!p0 $0x0  }
0x9d: {  	[sflag:s0] =	ssyncadd.s32 @!p0 s1  }
0x9e: {  	[bflag:$0x3] =	sbarrier.arrive $0xFFFF  }
0x9f: {  	_ =	shalt  }

// kernel: sparse-core-data-format-call.1.cloned.1.call-start
scs
called_computation.1_lowered:
.L_overlay_start_0:
0x0: {  	s2 =	sld [smem:$0x3FD9]  }
0x1: {  	s3 =	sld [smem:$0x3FFE];
	_ =	sdelay $0x1  }
0x2: {  	s1 =	srdreg.scid  }
0x3: {  	s0 =	sand.u32 $0x1, s1  }
0x4: {  	s18 =	sshll.u32 s0, $0xA;
	s2 =	sadd.s32 s3, s2  }
0x5: {  	s2 =	sadd.s32 s2, s18  }
0x6: {  	[smem:$0x3FC4] =	sst s2  }
0x7: {  	_ = 	snop  }
0x8: {  	s2 =	sld [smem:$0x3FD0];
	(tm) =	ssettm $0x1  }
0x9: {  	s19 =	sld [smem:$0x3FFB];
	_ =	sdelay $0x3  }
0xa: {  	_ =	strace s19  }
0xb: {  	s3 =	sld [smem:$0x3FFC];
	_ =	sdelay $0x3  }
0xc: {  	_ =	strace s3  }
0xd: {  	s3 =	sld [smem:$0x3FFD];
	_ =	sdelay $0x3  }
0xe: {  	_ =	strace s3  }
0xf: {  	_ =	strace $0x8FFFFFFF  }
0x10: {  	s20 =	sld [smem:$0x3FDB];
	_ =	sdelay $0x1  }
0x11: {  	s4 =	simm.s32 $_scs_section_size  }
0x12: {  	s5 =	simm.s32 $_size__tile_overlayer_lowered;
	s6 =	simm.s32 $_tile_overlayer_lowered  }
0x13: {  	s23 =	simm.s32 $0x1BFF;
	s22 =	sshll.u32 s6, $0x1;
	s3 =	sadd.s32 s4, s20  }
0x14: {  	s7 =	simm.s32 $0x0;
	s21 =	sshll.u32 s5, $0x1;
	s5 =	sadd.s32 s22, s3  }
0x15: {  	[timem:s7], [sflag:s23] =	dma.local [hbm:s5], s21  }
0x16: {  	_ =	swait.ge [sflag:s23], s21  }
0x17: {  	s4 =	ssub.s32 $0x0, s21;
	[sflag:s23] =	ssyncset.done $0x0  }
0x18: {  	[sflag:s23] =	ssyncadd.s32 s4;
	_ =	sdelay $0x1  }
0x19: {  	s24 =	simm.s32 $0x1B8B  }
0x1a: {  	_ =	swait.ge [sflag:s24], $0x1  }
0x1b: {  	[sflag:s24] =	ssyncset.done $0x0  }
0x1c: {  	s26 =	simm.s32 $0x1B8E;
	s25 =	sld [smem:$0x3FFE];
	[sflag:s24] =	ssyncadd.s32 $0xFFFFFFFF  }
0x1d: {  	s27 =	simm.s32 $execute0_lowered;
	[smem:$0x3FD2] =	sst s26  }
0x1e: {  	s5 =	sshll.u32 s27, $0x1;
	_ =	strace $0x80000046;
	[dreg:$0x1] =	wrdreg $0xFFFFFFFF  }
0x1f: {  	s28 =	simm.s32 $_size_execute0_lowered;
	s3 =	sadd.s32 s3, s5;
	[dreg:$0x0] =	wrdreg $0x0  }
0x20: {  	s5 =	sshll.u32 s28, $0x1;
	[dreg:$0x2] =	wrdreg s3  }
0x21: {  	[dreg:$0x3] =	wrdreg s5  }
0x22: {  	[dreg:$0x4] =	wrdreg $0xC0  }
0x23: {  	_ =	task [dreg:s7], $0x5FFFF  }
0x24: {  	[dreg:$0x1] =	wrdreg $0xFFFFFFFF  }
0x25: {  	[dreg:$0x0] =	wrdreg $0x60  }
0x26: {  	[dreg:$0x2] =	wrdreg s2  }
0x27: {  	[dreg:$0x3] =	wrdreg s25  }
0x28: {  	[dreg:$0x4] =	wrdreg $0x9  }
0x29: {  	_ =	task.clear_ibuf [dreg:s7], $0x5FFFF;
	_ =	strace $0x90000046  }
0x2a: {  	s29 =	simm.s32 $0x9;
	_ =	strace $0x80000048  }
0x2b: {  	_ =	swait.ge [sflag:s29], $0x1  }
0x2c: {  	[sflag:s29] =	ssyncadd.s32 $0xFFFFFFFF  }
0x2d: {  	_ =	strace $0x90000048  }
0x2e: {  	_ =	sfence  }
0x2f: {  	s30 =	sld [smem:$0x0];
	_ =	sdelay $0x2  }
0x30: {  	s31 =	sshll.u32 s1, $0xD;
	s1 =	sshrl.u32 s1, $0x2  }
0x31: {  	s3 =	sand.u32 $0x4000, s31;
	s1 =	sadd.s32 s1, s30  }
0x32: {  	s0 =	sor.u32 s3, s0;
	s1 =	sshll.u32 s1, $0x11  }
0x33: {  	s0 =	sor.u32 s1, s0  }
0x34: {  	s0 =	sadd.s32 $0x8F2B, s0  }
0x35: {  	[sflag:s0] =	ssyncadd.remote.s32 $0x1  }
0x36: {  	_ =	sfence.sel $0xFFFF  }
0x37: {  	[dreg:$0x0] =	wrdreg $0xFFFFFFFF;
	(pc) =	sbr.abs _section_cstart, $3  }
0x38: {  	[dreg:$0x1] =	wrdreg $0xFFFFFFFF  }
0x39: {  	_ =	task.clear_ibuf [dreg:s7], $0x2FFFF;
	_ =	strace $0x9FFFFFFF  }
0x3a: {  	(tm) =	ssettm $0x7FFFFFFF  }
0x3b: {  	_ =	shalt  }
tec
execute0_lowered:
.L_overlay_start_1:
0x0: {  	(tag) =	ssettag $0x1  }
0x1: {  	s2 =	rddreg [dreg:$0x0]  }
0x2: {  	s0 =	srdreg.scid;
	s4 =	rddreg [dreg:$0x1]  }
0x3: {  	s1 =	stileid.u32;
	s5 =	simm.s32 $0x1;
	s0 =	sshll.u32 s0, $0x4  }
0x4: {  	s7 =	simm.s32 $0x2;
	s11 =	simm.s32 $0x0;
	s3 =	sand.u32 $0x10, s0  }
.Ltmp0:
0x5: {  	p0 =	por $0x0, $0x0;
	s3 =	sor.u32 s1, s3;
	(pc) =	sbr.rel .LBB1_1-.Ltmp0, $4  }
0x6: {  	s8 =	simm.s32 $0xEA800;
	s10 =	simm.s32 $0x0;
	s3 =	sshll.u32 s3, $0x7  }
0x7: {  	s0 =	rddreg [dreg:$0x2];
	_ =	strace $0x80000047;
	s6 =	ssub.s32 $0x1D480, s3  }
0x8: {  	s4 =	sadd.s32 $0x1400, s4;
	[sflag:s5] =	ssyncpa.u1 $0x0;
	s6 =	sshrl.u32 s6, $0xC  }
0x9: {  	[sflag:s7] =	ssyncpa.u1 $0x0;
	s9 =	smov.u32 s3;
	s7 =	sor.u32 $0x2, s6  }
.LBB1_5:
0xa: {  	s13 =	sadd.s32 $0x1000, s9  }
0xb: {  	p2 =	sgt.s32 s13, $0x1D4BF  }
0xc: {  	s13 =	smov.u32 @p2 s3;
	p2 =	sne.s32 s10, s7  }
.Ltmp1:
0xd: {  	p1 =	slt.u32 s10, $0x2;
	(pc) =	sbr.rel @!p2 .LBB1_6-.Ltmp1, $4  }
0xe: {  	s12 =	simm.s32 @!p1 $0x2  }
0xf: {  	s14 =	sadd.s32 $0x1, s10;
	_ =	swait.ge @!p1 [sflag:s12], $0x4000  }
0x10: {  	s11 =	smov.u32 s9;
	p0 =	por !p0, !p0;
	[sflag:s12] =	ssyncset.done @!p1 $0x0  }
0x11: {  	s10 =	smov.u32 s14;
	s9 =	smov.u32 s13;
	[sflag:s12] =	ssyncadd.s32 @!p1 $0xFFFFC000  }
.LBB1_1:
0x12: {  	p1 =	sgt.u32 s10, s6  }
0x13: {  	s12 =	sand.u32 @!p1 $0x1FFFFFF, s9  }
0x14: {  	p2 =	sgt.s32 @!p1 s9, $0x1D440;
	s13 =	smulhi.u32 @!p1 $0x8BCF65, s12  }
0x15: {  	s14 =	smov.u32 s9;
	s15 =	sshra.s32 @!p1 s9, $0x1F;
	p2 =	por !p2, p1  }
0x16: {  	s15 =	sand.u32 @!p1 s15, s9;
	s14 =	simm.s32 @p2 $0x1D440;
	s13 =	sshrl.u32 @!p1 s13, $0x8  }
0x17: {  	s14 =	ssub.s32 @!p1 s14, s15;
	s13 =	smul.u32 @!p1 $0x1D4C0, s13  }
0x18: {  	s15 =	sxor.u32 @!p1 $0xFFFFFFFF, s10;
	s14 =	sadd.s32 @!p1 $0xFFFE2BC0, s14  }
0x19: {  	s15 =	sshll.u32 @!p1 s15, $0xE;
	s12 =	ssub.s32 @!p1 s12, s13;
	s13 =	sshll.u32 @!p1 s14, $0x9  }
0x1a: {  	s15 =	sand.u32 @!p1 $0x4000, s15;
	p2 =	sgt.s32 @!p1 s14, $0x7F;
	s13 =	ssub.s32 @!p1 $0x10000, s13  }
0x1b: {  	p2 =	por !p2, p1;
	s12 =	sshll.u32 @!p1 s12, $0x4;
	s13 =	sshrl.u32 @!p1 s13, $0x2  }
0x1c: {  	s14 =	simm.s32 @!p1 $0x0;
	s12 =	sadd.s32 @!p1 s2, s12;
	s13 =	simm.s32 @!p2 $0x0  }
0x1d: {  	[tilespmem:s15], [sflag:$0x1] =	stream.linear.gather @!p1 [hbm4b:s12+s14], s13, $0x38;
	[tilespmem:$0x10100] =	vst v63  }
0x1e: {  	p1 =	seq.s32 s10, $0x0  }
0x1f: {  	p2 =	sge.u32 @!p1 s10, s7  }
0x20: {  	p1 =	por p1, p2  }
.Ltmp2:
0x21: {  	_ = 	snop;
	(pc) =	sbr.rel @p1 .LBB1_5-.Ltmp2, $1  }
0x22: {  	_ =	sdelay $0x3  }
0x23: {  	p1 =	sgt.s32 s11, $0x1D440;
	s12 =	smov.u32 s11;
	s13 =	sshra.s32 s11, $0x1F  }
0x24: {  	s12 =	simm.s32 @!p1 $0x1D440;
	s13 =	sand.u32 s13, s11  }
0x25: {  	s12 =	ssub.s32 s12, s13  }
0x26: {  	s12 =	sadd.s32 $0xFFFE2BC0, s12  }
0x27: {  	s29 =	sshll.u32 s12, $0x9  }
0x28: {  	s13 =	ssub.s32 $0x10000, s29  }
0x29: {  	p1 =	sgt.s32 s12, $0x7F;
	s12 =	sshrl.u32 s13, $0x2  }
0x2a: {  	s13 =	simm.s32 $0x1;
	s12 =	simm.s32 @p1 $0x0  }
0x2b: {  	s13 =	simm.s32 @!p0 $0x0;
	_ =	swait.ge [sflag:s5], s12  }
0x2c: {  	s14 =	sshll.u32 s13, $0xE;
	s12 =	ssub.s32 $0x0, s12;
	[sflag:s5] =	ssyncset.done $0x0  }
0x2d: {  	s15 =	sor.u32 $0x40, s14;
	[sflag:s5] =	ssyncadd.s32 s12  }
0x2e: {  	s30 =	smul.u32 $0x10200, s13;
	v0 =	vld [tilespmem:s15+$0x30]  }
0x2f: {  	v1 =	vld [tilespmem:s15+$0xFFFFFFD0]  }
0x30: {  	s12 =	sshrl.u32 s30, $0x2;
	v5 =	vld [tilespmem:s15+$0xFFFFFFE0]  }
0x31: {  	s13 =	sor.u32 $0x8000, s12;
	v6 =	vld [tilespmem:s15+$0xFFFFFFF0]  }
0x32: {  	s31 =	sand.u32 $0x1, s10;
	v3 =	vld [tilespmem:s15+$0x0];
	s14 =	sadd.s32 $0x0, s13  }
0x33: {  	s12 =	smul.u32 $0x10200, s31;
	v4 =	vld [tilespmem:s15+$0x10];
	[tilespmem:s14+$0x3870 ss:$0x81] =	vst.msk $0xffff, v0  }
0x34: {  	v2 =	vld [tilespmem:s15+$0x20];
	[tilespmem:s14+$0x810 ss:$0x81] =	vst.msk $0xffff, v1  }
0x35: {  	s12 =	sshrl.u32 s12, $0x2;
	v0 =	vld [tilespmem:s15+$0xFFFFFFC0];
	[tilespmem:s14+$0x1020 ss:$0x81] =	vst.msk $0xffff, v5;
	s15 =	sadd.s32 $0x80, s15  }
0x36: {  	s16 =	simm.s32 $0x4;
	s17 =	simm.s32 $0x8;
	s12 =	sor.u32 $0x8000, s12;
	[tilespmem:s14+$0x1830 ss:$0x81] =	vst.msk $0xffff, v6;
	v1 =	vld [tilespmem:s15+$0x30]  }
.LBB1_3:
0x37: {  	p1 =	sne.s32 s17, $0x1FC;
	v5 =	vld [tilespmem:s15+$0xFFFFFFD0];
	[tilespmem:s14+$0x2040 ss:$0x81] =	vst.msk $0xffff, v3  }
0x38: {  	v6 =	vld [tilespmem:s15+$0xFFFFFFE0];
	[tilespmem:s14+$0x2850 ss:$0x81] =	vst.msk $0xffff, v4  }
0x39: {  	s18 =	sshra.s32 s16, $0x2;
	s16 =	smov.u32 s17;
	v7 =	vld [tilespmem:s15+$0xFFFFFFF0];
	[tilespmem:s14+$0x3060 ss:$0x81] =	vst.msk $0xffff, v2  }
.Ltmp3:
0x3a: {  	v3 =	vld [tilespmem:s15+$0x0];
	[tilespmem:s14+$0x0 ss:$0x81] =	vst.msk $0xffff, v0;
	s14 =	sadd.s32 s18, s13;
	(pc) =	sbr.rel @p1 .LBB1_3-.Ltmp3, $4  }
0x3b: {  	v4 =	vld [tilespmem:s15+$0x10];
	[tilespmem:s14+$0x3870 ss:$0x81] =	vst.msk $0xffff, v1  }
0x3c: {  	[tilespmem:s14+$0x810 ss:$0x81] =	vst.msk $0xffff, v5;
	v2 =	vld [tilespmem:s15+$0x20]  }
0x3d: {  	v0 =	vld [tilespmem:s15+$0xFFFFFFC0];
	[tilespmem:s14+$0x1020 ss:$0x81] =	vst.msk $0xffff, v6;
	s15 =	sadd.s32 $0x80, s15  }
0x3e: {  	s17 =	sadd.s32 $0x4, s17;
	v1 =	vld [tilespmem:s15+$0x30];
	[tilespmem:s14+$0x1830 ss:$0x81] =	vst.msk $0xffff, v7  }
0x3f: {  	v5 =	vld [tilespmem:s15+$0xFFFFFFD0];
	[tilespmem:s14+$0x2040 ss:$0x81] =	vst.msk $0xffff, v3;
	s17 =	sshll.u32 s11, $0x3  }
0x40: {  	v58 =	vld [tilespmem:s15+$0xFFFFFFE0];
	s25 =	sand.u32 $0x7F, s11;
	[tilespmem:s14+$0x2850 ss:$0x81] =	vst.msk $0xffff, v4;
	s17 =	sand.u32 $0xFFFFFC00, s17  }
0x41: {  	s16 =	sshra.s32 s16, $0x2;
	v59 =	vld [tilespmem:s15+$0xFFFFFFF0];
	[tilespmem:s14+$0x3060 ss:$0x81] =	vst.msk $0xffff, v2;
	s11 =	sor.u32 s25, s17  }
0x42: {  	v60 =	vld [tilespmem:s15+$0x0];
	s13 =	sadd.s32 s16, s13;
	[tilespmem:s14+$0x0 ss:$0x81] =	vst.msk $0xffff, v0;
	s26 =	smulhi.u32 $0x8BBC50C9, s11  }
0x43: {  	v61 =	vld [tilespmem:s15+$0x10];
	[tilespmem:s13+$0x3870 ss:$0x81] =	vst.msk $0xffff, v1  }
0x44: {  	v62 =	vld [tilespmem:s15+$0x20];
	s27 =	smulhi.u32 $0x8BBC50C9, s17;
	[tilespmem:s13+$0x810 ss:$0x81] =	vst.msk $0xffff, v5;
	s14 =	sshrl.u32 s26, $0x10  }
0x45: {  	v63 =	vld [tilespmem:s15+$0xFFFFFFC0];
	[tilespmem:s13+$0x1020 ss:$0x81] =	vst.msk $0xffff, v58;
	s14 =	smul.u32 $0x1D500, s14  }
0x46: {  	s28 =	sshrl.u32 s27, $0x10;
	[tilespmem:s13+$0x1830 ss:$0x81] =	vst.msk $0xffff, v59  }
.Ltmp4:
0x47: {  	[tilespmem:s13+$0x2040 ss:$0x81] =	vst.msk $0xffff, v60;
	s29 =	sand.u32 $0x7F, s28;
	s11 =	ssub.s32 s11, s14;
	(pc) =	sbr.rel .LBB1_5-.Ltmp4, $4  }
0x48: {  	[tilespmem:s13+$0x2850 ss:$0x81] =	vst.msk $0xffff, v61;
	s14 =	smul.u32 $0x3AA0, s29;
	s30 =	sshrl.u32 s11, $0x3;
	s11 =	sand.u32 $0x7, s11  }
0x49: {  	[tilespmem:s13+$0x3060 ss:$0x81] =	vst.msk $0xffff, v62;
	s15 =	sadd.s32 s4, s30;
	s11 =	sshll.u32 s11, $0x12  }
0x4a: {  	[tilespmem:s13+$0x0 ss:$0x81] =	vst.msk $0xffff, v63;
	s31 =	sadd.s32 s14, s15;
	s11 =	sor.u32 $0x400, s11  }
0x4b: {  	[hbm4b:s31+s11] =	stream.strided.scatter [tilespmem:s12], [sflag:$0x2], $0x4000, s8, s11, $0x20;
	[tilespmem:$0x10100] =	vst v63  }
.LBB1_6:
0x4c: {  	_ =	sfence.sel $0x180000  }
0x4d: {  	s2 =	simm.s32 $0x1;
	[bflag:$0x0] =	sbarrier.arrive $0xFFFF  }
0x4e: {  	s31 =	simm.s32 $0x2;
	[sflag:s2] =	ssyncpa.u1 $0x1  }
0x4f: {  	[sflag:s31] =	ssyncpa.u1 $0x1  }
0x50: {  	p0 =	sne.s32 s1, $0x0;
	_ =	strace $0x90000047  }
0x51: {  	s0 =	sadd.s32 @!p0 $0x100000, s0;
	[bflag:$0x2] =	sbarrier.arrive $0xFFFF  }
0x52: {  	[sflag:s0] =	ssyncadd.tile.s32 @!p0 $0x1;
	_ =	shalt  }
.Lfunc_end1:
_tile_overlayer_lowered:
.L_overlay_start_2:
0x53: {  	(tag) =	ssettag $0x2  }
0x54: {  	s0 =	rddreg [dreg:$0x0];
	s2 =	stileid.u32  }
0x55: {  	s1 =	rddreg [dreg:$0x1];
	p0 =	sne.s32 s2, $0x0  }
0x56: {  	s3 =	rddreg [dreg:$0x2];
	[bflag:$0x3] =	sbarrier.arrive $0xFFFF;
	s2 =	simm.s32 @!p0 $0x1C01  }
0x57: {  	[timem:s3], [sflag:s2] =	dma.local @!p0 [hbm:s0], s1  }
0x58: {  	s0 =	simm.s32 @!p0 $0x1  }
0x59: {  	_ =	swait.ge @!p0 [sflag:s0], s1  }
0x5a: {  	s1 =	ssub.s32 @!p0 $0x0, s1;
	[sflag:s0] =	ssyncset.done @!p0 $0x0  }
0x5b: {  	[sflag:s0] =	ssyncadd.s32 @!p0 s1  }
0x5c: {  	[bflag:$0x3] =	sbarrier.arrive $0xFFFF  }
0x5d: {  	_ =	shalt  }

// kernel: sparse-core-data-format-call.cloned.1.call-start
scs
called_computation_lowered:
.L_overlay_start_0:
0x0: {  	s2 =	sld [smem:$0x3FD9]  }
0x1: {  	s3 =	sld [smem:$0x3FFE];
	_ =	sdelay $0x1  }
0x2: {  	s1 =	srdreg.scid  }
0x3: {  	s0 =	sand.u32 $0x1, s1  }
0x4: {  	s18 =	sshll.u32 s0, $0xA;
	s2 =	sadd.s32 s3, s2  }
0x5: {  	s2 =	sadd.s32 s2, s18  }
0x6: {  	[smem:$0x3FC4] =	sst s2  }
0x7: {  	_ = 	snop  }
0x8: {  	s2 =	sld [smem:$0x3FD0];
	(tm) =	ssettm $0x1  }
0x9: {  	s19 =	sld [smem:$0x3FFB];
	_ =	sdelay $0x3  }
0xa: {  	_ =	strace s19  }
0xb: {  	s3 =	sld [smem:$0x3FFC];
	_ =	sdelay $0x3  }
0xc: {  	_ =	strace s3  }
0xd: {  	s3 =	sld [smem:$0x3FFD];
	_ =	sdelay $0x3  }
0xe: {  	_ =	strace s3  }
0xf: {  	_ =	strace $0x8FFFFFFF  }
0x10: {  	s20 =	sld [smem:$0x3FDB];
	_ =	sdelay $0x1  }
0x11: {  	s4 =	simm.s32 $_scs_section_size  }
0x12: {  	s5 =	simm.s32 $_size__tile_overlayer_lowered;
	s6 =	simm.s32 $_tile_overlayer_lowered  }
0x13: {  	s23 =	simm.s32 $0x1BFF;
	s22 =	sshll.u32 s6, $0x1;
	s3 =	sadd.s32 s4, s20  }
0x14: {  	s7 =	simm.s32 $0x0;
	s21 =	sshll.u32 s5, $0x1;
	s5 =	sadd.s32 s22, s3  }
0x15: {  	[timem:s7], [sflag:s23] =	dma.local [hbm:s5], s21  }
0x16: {  	_ =	swait.ge [sflag:s23], s21  }
0x17: {  	s4 =	ssub.s32 $0x0, s21;
	[sflag:s23] =	ssyncset.done $0x0  }
0x18: {  	[sflag:s23] =	ssyncadd.s32 s4;
	_ =	sdelay $0x1  }
0x19: {  	s24 =	simm.s32 $0x1B8B  }
0x1a: {  	_ =	swait.ge [sflag:s24], $0x1  }
0x1b: {  	[sflag:s24] =	ssyncset.done $0x0  }
0x1c: {  	s26 =	simm.s32 $0x1B8E;
	s25 =	sld [smem:$0x3FFE];
	[sflag:s24] =	ssyncadd.s32 $0xFFFFFFFF  }
0x1d: {  	s27 =	simm.s32 $execute0_lowered;
	[smem:$0x3FD2] =	sst s26  }
0x1e: {  	s5 =	sshll.u32 s27, $0x1;
	_ =	strace $0x8000004F;
	[dreg:$0x1] =	wrdreg $0xFFFFFFFF  }
0x1f: {  	s28 =	simm.s32 $_size_execute0_lowered;
	s3 =	sadd.s32 s3, s5;
	[dreg:$0x0] =	wrdreg $0x0  }
0x20: {  	s5 =	sshll.u32 s28, $0x1;
	[dreg:$0x2] =	wrdreg s3  }
0x21: {  	[dreg:$0x3] =	wrdreg s5  }
0x22: {  	[dreg:$0x4] =	wrdreg $0xC0  }
0x23: {  	_ =	task [dreg:s7], $0x5FFFF  }
0x24: {  	[dreg:$0x1] =	wrdreg $0xFFFFFFFF  }
0x25: {  	[dreg:$0x0] =	wrdreg $0x60  }
0x26: {  	[dreg:$0x2] =	wrdreg s25  }
0x27: {  	[dreg:$0x3] =	wrdreg s2  }
0x28: {  	[dreg:$0x4] =	wrdreg $0x9  }
0x29: {  	_ =	task.clear_ibuf [dreg:s7], $0x5FFFF;
	_ =	strace $0x9000004F  }
0x2a: {  	s29 =	simm.s32 $0x9;
	_ =	strace $0x80000051  }
0x2b: {  	_ =	swait.ge [sflag:s29], $0x1  }
0x2c: {  	[sflag:s29] =	ssyncadd.s32 $0xFFFFFFFF  }
0x2d: {  	_ =	strace $0x90000051  }
0x2e: {  	_ =	sfence  }
0x2f: {  	s30 =	sld [smem:$0x0];
	_ =	sdelay $0x2  }
0x30: {  	s31 =	sshll.u32 s1, $0xD;
	s1 =	sshrl.u32 s1, $0x2  }
0x31: {  	s3 =	sand.u32 $0x4000, s31;
	s1 =	sadd.s32 s1, s30  }
0x32: {  	s0 =	sor.u32 s3, s0;
	s1 =	sshll.u32 s1, $0x11  }
0x33: {  	s0 =	sor.u32 s1, s0  }
0x34: {  	s0 =	sadd.s32 $0x8F2B, s0  }
0x35: {  	[sflag:s0] =	ssyncadd.remote.s32 $0x1  }
0x36: {  	_ =	sfence.sel $0xFFFF  }
0x37: {  	[dreg:$0x0] =	wrdreg $0xFFFFFFFF;
	(pc) =	sbr.abs _section_cstart, $3  }
0x38: {  	[dreg:$0x1] =	wrdreg $0xFFFFFFFF  }
0x39: {  	_ =	task.clear_ibuf [dreg:s7], $0x2FFFF;
	_ =	strace $0x9FFFFFFF  }
0x3a: {  	(tm) =	ssettm $0x7FFFFFFF  }
0x3b: {  	_ =	shalt  }
tec
execute0_lowered:
.L_overlay_start_1:
0x0: {  	(tag) =	ssettag $0x1  }
0x1: {  	s2 =	stileid.u32;
	s0 =	srdreg.scid  }
0x2: {  	s1 =	sshll.u32 s2, $0x6;
	s0 =	sshll.u32 s0, $0xA  }
0x3: {  	s5 =	rddreg [dreg:$0x0];
	s0 =	sor.u32 s1, s0  }
0x4: {  	_ =	strace $0x80000050;
	s1 =	sand.u32 $0x1, s2;
	s2 =	sand.u32 $0x780, s0  }
0x5: {  	s30 =	simm.s32 $0x1;
	s29 =	ssub.s32 $0x2, s1;
	s3 =	ssub.s32 $0x4E00, s2  }
0x6: {  	s4 =	sshrl.u32 s29, $0x1;
	s0 =	sand.u32 $0x1, s29;
	s3 =	sshrl.u32 s3, $0xB  }
0x7: {  	s31 =	simm.s32 $0x2;
	s0 =	sadd.s32 s0, s4;
	s3 =	sadd.s32 $0x1, s3  }
0x8: {  	s10 =	simm.s32 $0x0;
	s19 =	simm.s32 $0x0;
	s0 =	smul.u32 s3, s0  }
.Ltmp0:
0x9: {  	s18 =	simm.s32 $0x0;
	s20 =	simm.s32 $0x0;
	(pc) =	sbr.rel .LBB1_1-.Ltmp0, $4  }
0xa: {  	s11 =	simm.s32 $0x0;
	s12 =	simm.s32 $0x0;
	s13 =	simm.s32 $0x0  }
0xb: {  	s14 =	simm.s32 $0x0;
	[sflag:s30] =	ssyncpa.u1 $0x0;
	s6 =	smul.u32 $0x3, s0  }
0xc: {  	s17 =	simm.s32 $0x0;
	s7 =	sadd.s32 $0x1400, s5;
	[sflag:s31] =	ssyncpa.u1 $0x0  }
0xd: {  	s16 =	smov.u32 s1;
	s15 =	smov.u32 s2;
	s8 =	sadd.s32 $0x1, s6  }
.LBB1_13:
0xe: {  	s0 =	sand.u32 $0x1FFFFFF, s12;
	p0 =	sgt.s32 s11, $0x2;
	s4 =	smov.u32 s11  }
0xf: {  	s3 =	smulhi.u32 $0x1A36E2F, s0;
	s4 =	simm.s32 @!p0 $0x2  }
0x10: {  	s4 =	sadd.s32 s21, s4  }
0x11: {  	s27 =	smul.u32 $0xEA600, s13;
	s3 =	sshrl.u32 s3, $0x7;
	s5 =	sadd.s32 $0xFFFFFFFE, s4  }
0x12: {  	s4 =	ssub.s32 $0x3, s4;
	s3 =	smul.u32 $0x4E20, s3;
	p0 =	sgt.s32 s5, $0x0  }
0x13: {  	s9 =	smul.u32 $0x4E200, s11;
	s29 =	rddreg [dreg:$0x1];
	s4 =	simm.s32 @p0 $0x0  }
0x14: {  	s0 =	ssub.s32 s0, s3;
	s28 =	smul.u32 s4, s22;
	s4 =	sadd.s32 s29, s27  }
0x15: {  	s30 =	sor.u32 $0x8000, s23;
	s0 =	sshll.u32 s0, $0x4;
	s4 =	sadd.s32 s9, s4  }
0x16: {  	s31 =	simm.s32 $0x0;
	s3 =	sand.u32 $0x3FFFFF80, s28;
	s0 =	sadd.s32 s0, s4  }
0x17: {  	[hbm4b:s0+s31] =	stream.linear.scatter [tilespmem:s30], [sflag:$0x2], s3, $0x38;
	[tilespmem:$0x10000] =	vst v63  }
.LBB1_14:
0x18: {  	p0 =	slt.u32 s17, $0x2  }
0x19: {  	s0 =	smov.u32 s20;
	p1 =	sgt.s32 @!p0 s20, $0x1  }
0x1a: {  	s3 =	sshra.s32 @!p0 s20, $0x1F;
	p2 =	sgt.s32 @!p0 s19, $0x2;
	s4 =	sshra.s32 @!p0 s19, $0x1F  }
0x1b: {  	s5 =	sshra.s32 @!p0 s18, $0x1F;
	p1 =	por !p1, p0;
	s3 =	sand.u32 @!p0 s3, s20  }
0x1c: {  	s0 =	simm.s32 @p1 $0x1;
	p1 =	por !p2, p0;
	p2 =	sgt.s32 @!p0 s18, $0x4DA0  }
0x1d: {  	s4 =	sand.u32 @!p0 s4, s19;
	s5 =	sand.u32 @!p0 s5, s18;
	p2 =	por !p2, p0  }
0x1e: {  	s3 =	sxor.u32 @!p0 $0xFFFFFFFF, s3;
	s19 =	simm.s32 @p1 $0x2;
	s18 =	simm.s32 @p2 $0x4DA0  }
0x1f: {  	s0 =	sadd.s32 @!p0 s3, s0;
	s3 =	ssub.s32 @!p0 s19, s4;
	s4 =	ssub.s32 @!p0 s18, s5  }
0x20: {  	p1 =	sgt.s32 @!p0 s0, $0x0;
	s0 =	sshll.u32 @!p0 s0, $0x7;
	s9 =	sadd.s32 @!p0 $0xFFFFB260, s4  }
0x21: {  	s5 =	sadd.s32 @!p0 $0xFFFFFFFE, s3;
	s0 =	ssub.s32 @!p0 $0x80, s0;
	p2 =	sgt.s32 @!p0 s9, $0x7F  }
0x22: {  	p1 =	por !p1, p0;
	s4 =	ssub.s32 @!p0 $0x4E20, s4;
	p2 =	por !p2, p0  }
0x23: {  	s0 =	simm.s32 @!p1 $0x0;
	s4 =	simm.s32 @!p2 $0x0;
	p2 =	sgt.s32 @!p0 s5, $0x0  }
0x24: {  	s3 =	ssub.s32 @!p0 $0x3, s3;
	p1 =	por !p2, p0;
	s0 =	smul.u32 @!p0 s4, s0  }
0x25: {  	s3 =	simm.s32 @!p1 $0x0  }
0x26: {  	s0 =	smul.u32 @!p0 s3, s0;
	s3 =	sadd.s32 $0x1, s14  }
0x27: {  	s5 =	smov.u32 s15;
	s4 =	sadd.s32 $0x800, s15;
	p1 =	sgt.s32 s3, $0x2  }
0x28: {  	s5 =	smov.u32 @p1 s4  }
0x29: {  	s21 =	smov.u32 s16;
	s4 =	sadd.s32 $0x2, s16;
	p2 =	sgt.s32 s5, $0x4E1F  }
0x2a: {  	s10 =	sadd.s32 $0x4000, s10;
	s20 =	smov.u32 s13;
	s21 =	smov.u32 @p2 s4  }
0x2b: {  	s13 =	smov.u32 s16;
	s3 =	simm.s32 @p1 $0x0;
	p1 =	sgt.s32 s21, $0x1  }
0x2c: {  	s19 =	smov.u32 s11;
	s21 =	smov.u32 @p1 s1;
	p1 =	sne.s32 s17, s8  }
.Ltmp1:
0x2d: {  	s9 =	simm.s32 @!p0 $0x2;
	s0 =	sand.u32 @!p0 $0x3FFFFF80, s0;
	(pc) =	sbr.rel @!p1 .LBB1_15-.Ltmp1, $4  }
0x2e: {  	s11 =	smov.u32 s14;
	s18 =	smov.u32 s12;
	_ =	swait.ge @!p0 [sflag:s9], s0  }
0x2f: {  	s12 =	smov.u32 s15;
	s0 =	ssub.s32 @!p0 $0x0, s0;
	[sflag:s9] =	ssyncset.done @!p0 $0x0  }
0x30: {  	s14 =	smov.u32 s3;
	s5 =	smov.u32 @p2 s2;
	[sflag:s9] =	ssyncadd.s32 @!p0 s0  }
0x31: {  	s15 =	smov.u32 s5;
	s17 =	sadd.s32 $0x1, s17;
	s16 =	smov.u32 s21  }
.LBB1_1:
0x32: {  	p0 =	sge.u32 s17, s6;
	s0 =	smov.u32 s16;
	s5 =	smov.u32 s15  }
0x33: {  	s31 =	sadd.s32 $0xFFFFFFFF, s17;
	p1 =	sgt.s32 @!p0 s16, $0x1;
	s3 =	sxor.u32 @!p0 $0xFFFFFFFF, s17  }
0x34: {  	s4 =	sshra.s32 @!p0 s16, $0x1F;
	s9 =	sshra.s32 @!p0 s15, $0x1F;
	p1 =	por !p1, p0  }
0x35: {  	s4 =	sand.u32 @!p0 s4, s16;
	s0 =	simm.s32 @p1 $0x1;
	p1 =	sgt.s32 @!p0 s15, $0x4DA0  }
0x36: {  	s9 =	sand.u32 @!p0 s9, s15;
	s4 =	sxor.u32 @!p0 $0xFFFFFFFF, s4;
	p1 =	por !p1, p0  }
0x37: {  	s0 =	sadd.s32 @!p0 s4, s0;
	s5 =	simm.s32 @p1 $0x4DA0;
	p1 =	sgt.s32 @!p0 s14, $0x3  }
0x38: {  	s5 =	ssub.s32 @!p0 s5, s9;
	p1 =	por !p1, p0;
	s9 =	smov.u32 s14  }
0x39: {  	s4 =	sadd.s32 @!p0 $0xFFFFB260, s5;
	s9 =	simm.s32 @p1 $0x3;
	p1 =	sgt.s32 @!p0 s0, $0x0  }
0x3a: {  	s0 =	sshll.u32 @!p0 s0, $0x7;
	p2 =	sgt.s32 @!p0 s4, $0x7F;
	s4 =	sshra.s32 @!p0 s14, $0x1F  }
0x3b: {  	s5 =	ssub.s32 @!p0 $0x4E20, s5;
	s0 =	ssub.s32 @!p0 $0x80, s0;
	s4 =	sand.u32 @!p0 s4, s14  }
0x3c: {  	p1 =	por !p1, p0;
	p2 =	por !p2, p0;
	s4 =	ssub.s32 @!p0 s9, s4  }
0x3d: {  	s0 =	simm.s32 @!p1 $0x0;
	s5 =	simm.s32 @!p2 $0x0;
	s9 =	sadd.s32 @!p0 $0xFFFFFFFD, s4  }
0x3e: {  	s3 =	sshll.u32 @!p0 s3, $0xE;
	s0 =	smul.u32 @!p0 s5, s0;
	p2 =	sgt.s32 @!p0 s9, $0x0  }
0x3f: {  	s4 =	ssub.s32 @!p0 $0x4, s4;
	s5 =	smul.u32 @!p0 $0x138800, s16;
	p1 =	por !p2, p0  }
0x40: {  	s3 =	sand.u32 @!p0 $0x4000, s3;
	s9 =	sshll.u32 @!p0 s14, $0x4;
	s4 =	simm.s32 @!p1 $0x0  }
0x41: {  	s5 =	sadd.s32 @!p0 s7, s5;
	s0 =	smul.u32 @!p0 s4, s0;
	s4 =	sshll.u32 @!p0 s15, $0x6  }
0x42: {  	s9 =	sand.u32 @!p0 $0x30, s9;
	s4 =	sadd.s32 @!p0 s4, s5;
	s5 =	simm.s32 @!p0 $0x80  }
0x43: {  	s0 =	sand.u32 @!p0 $0x3FFFFF80, s0;
	s4 =	sadd.s32 @!p0 s9, s4;
	s9 =	simm.s32 @!p0 $0x200  }
0x44: {  	[tilespmem:s3], [sflag:$0x1] =	stream.strided.gather @!p0 [hbm4b:s4+s5], s0, s9, s5, $0x38;
	[tilespmem:$0x10000] =	vst v63  }
0x45: {  	p0 =	sge.u32 s31, s6  }
.Ltmp2:
0x46: {  	_ = 	snop;
	(pc) =	sbr.rel @p0 .LBB1_14-.Ltmp2, $1  }
0x47: {  	_ =	sdelay $0x3  }
0x48: {  	p0 =	sgt.s32 s13, $0x1  }
0x49: {  	s0 =	smov.u32 s13;
	s3 =	sshra.s32 s13, $0x1F;
	s4 =	smov.u32 s12  }
0x4a: {  	s5 =	sshra.s32 s12, $0x1F;
	s26 =	ssub.s32 $0x0, s11;
	s27 =	sshra.s32 s11, $0x1F  }
0x4b: {  	p1 =	sgt.s32 s11, $0x3;
	s9 =	smov.u32 s11;
	s0 =	simm.s32 @!p0 $0x1  }
0x4c: {  	s3 =	sand.u32 s3, s13;
	p0 =	sgt.s32 s12, $0x4DA0;
	s25 =	sand.u32 s5, s12  }
0x4d: {  	s21 =	sand.u32 s26, s27;
	s3 =	sxor.u32 $0xFFFFFFFF, s3;
	s4 =	simm.s32 @!p0 $0x4DA0  }
0x4e: {  	s9 =	simm.s32 @!p1 $0x3;
	s0 =	sadd.s32 s3, s0;
	s3 =	ssub.s32 s4, s25  }
0x4f: {  	s4 =	sadd.s32 s21, s9;
	p0 =	sgt.s32 s0, $0x0;
	s22 =	sadd.s32 $0xFFFFB260, s3  }
0x50: {  	s0 =	ssub.s32 $0x1, s0;
	s3 =	ssub.s32 $0x4E20, s3;
	p1 =	sgt.s32 s22, $0x7F  }
0x51: {  	s28 =	sadd.s32 $0xFFFFFFFD, s4;
	s0 =	simm.s32 @p0 $0x0;
	s3 =	simm.s32 @p1 $0x0  }
0x52: {  	p0 =	sgt.s32 s28, $0x0;
	s0 =	smul.u32 s0, s3;
	s3 =	ssub.s32 $0x4, s4  }
0x53: {  	s4 =	sadd.s32 $0x1, s13;
	s3 =	simm.s32 @p0 $0x0  }
0x54: {  	p0 =	slt.s32 s4, $0x2;
	s22 =	sshll.u32 s0, $0x7;
	s0 =	sadd.s32 $0x80, s12  }
0x55: {  	s4 =	simm.s32 @!p0 $0x2;
	p0 =	slt.s32 s0, $0x4E20  }
0x56: {  	s24 =	ssub.s32 s4, s13;
	s4 =	sadd.s32 $0x1, s11;
	s0 =	simm.s32 @!p0 $0x4E20  }
0x57: {  	p0 =	slt.s32 s4, $0x3;
	p1 =	slt.s32 s24, $0x1;
	s25 =	ssub.s32 s0, s12  }
0x58: {  	s4 =	simm.s32 @!p0 $0x3;
	p0 =	slt.s32 @!p1 s25, $0x1  }
0x59: {  	s26 =	ssub.s32 s4, s11;
	p0 =	por p1, p0  }
0x5a: {  	p1 =	slt.s32 @!p0 s26, $0x1  }
0x5b: {  	s3 =	smul.u32 s3, s22;
	p0 =	por p0, p1  }
.Ltmp3:
0x5c: {  	_ = 	snop;
	(pc) =	sbr.rel @p0 .LBB1_13-.Ltmp3, $4  }
0x5d: {  	s30 =	simm.s32 $0x1;
	s29 =	sand.u32 $0x3FFFFF80, s3  }
0x5e: {  	_ =	swait.ge [sflag:s30], s29  }
0x5f: {  	s31 =	sshll.u32 s17, $0xE;
	s3 =	ssub.s32 $0x0, s29;
	[sflag:s30] =	ssyncset.done $0x0  }
0x60: {  	s23 =	sand.u32 $0x4000, s31;
	[sflag:s30] =	ssyncadd.s32 s3  }
.Ltmp4:
0x61: {  	(pc) =	sbr.rel .LBB1_4-.Ltmp4, $3  }
0x62: {  	_ =	sdelay $0x1  }
0x63: {  	s0 =	sand.u32 $0x4000, s10  }
0x64: {  	s28 =	simm.s32 $0x0;
	s3 =	sor.u32 $0x8000, s0  }
.LBB1_12:
0x65: {  	s28 =	sadd.s32 $0x1, s28  }
0x66: {  	p0 =	sne.s32 s28, s24  }
.Ltmp5:
0x67: {  	_ = 	snop;
	(pc) =	sbr.rel @!p0 .LBB1_13-.Ltmp5, $2  }
0x68: {  	_ =	sdelay $0x2  }
0x69: {  	s3 =	sadd.s32 $0x4000, s3  }
.LBB1_4:
0x6a: {  	s0 =	sshll.u32 s28, $0x10  }
0x6b: {  	s0 =	sshra.s32 s0, $0x2  }
0x6c: {  	s30 =	simm.s32 $0x0;
	s31 =	simm.s32 $0x0;
	s29 =	sadd.s32 s0, s23  }
.LBB1_5:
0x6d: {  	s0 =	sshll.u32 s30, $0x2  }
0x6e: {  	s4 =	sshll.u32 s31, $0x7;
	s0 =	sand.u32 $0xFE00, s0  }
0x6f: {  	p1 =	sne.s32 s26, $0x1;
	s4 =	sadd.s32 s4, s29;
	s0 =	sshrl.u32 s0, $0x2  }
.Ltmp6:
0x70: {  	v1 =	vmov s4;
	v0 =	vmov s0;
	(pc) =	sbr.rel @!p1 .LBB1_6-.Ltmp6, $3  }
0x71: {  	_ =	sdelay $0x1  }
0x72: {  	s5 =	simm.s32 $0x0  }
0x73: {  	p0 =	por $0x0, $0x0;
	s4 =	sand.u32 $0x180, s5;
	s5 =	sadd.s32 $0xFFFFFFFF, s26  }
0x74: {  	_ =	sdelay $0x3  }
0x75: {  	v7 =	vld.idx.msk [tilespmem:v1+s4+$0x70 ss:$0x1], $0xffff  }
0x76: {  	v8 =	vld.idx.msk [tilespmem:v1+s4+$0x0 ss:$0x1], $0xffff  }
0x77: {  	v2 =	vld.idx.msk [tilespmem:v1+s4+$0x10 ss:$0x1], $0xffff;
	p1 =	sne.s32 s5, $0x1  }
.Ltmp7:
0x78: {  	v3 =	vld.idx.msk [tilespmem:v1+s4+$0x20 ss:$0x1], $0xffff;
	(pc) =	sbr.rel @!p1 .LBB1_8-.Ltmp7, $4  }
0x79: {  	v4 =	vld.idx.msk [tilespmem:v1+s4+$0x30 ss:$0x1], $0xffff  }
0x7a: {  	v5 =	vld.idx.msk [tilespmem:v1+s4+$0x40 ss:$0x1], $0xffff  }
0x7b: {  	v6 =	vld.idx.msk [tilespmem:v1+s4+$0x50 ss:$0x1], $0xffff;
	s9 =	simm.s32 $0x80;
	s5 =	sadd.s32 $0xFFFFFFFF, s5;
	[tilespmem:v0+s3+$0x70 ss:$0x1] =	vst.idx.msk $0xffff, v7  }
0x7c: {  	p0 =	por $0x1, $0x1;
	s27 =	smov.u32 s3;
	s0 =	sand.u32 $0x180, s9;
	[tilespmem:v0+s3+$0x0 ss:$0x1] =	vst.idx.msk $0xffff, v8;
	v7 =	vld.idx.msk [tilespmem:v1+s4+$0x60 ss:$0x1], $0xffff  }
.LBB1_9:
0x7d: {  	p1 =	sne.s32 s5, $0x1;
	v8 =	vld.idx.msk [tilespmem:v1+s0+$0x70 ss:$0x1], $0xffff;
	[tilespmem:v0+s27+$0x10 ss:$0x1] =	vst.idx.msk $0xffff, v2  }
0x7e: {  	v9 =	vld.idx.msk [tilespmem:v1+s0+$0x0 ss:$0x1], $0xffff;
	[tilespmem:v0+s27+$0x20 ss:$0x1] =	vst.idx.msk $0xffff, v3  }
0x7f: {  	v2 =	vld.idx.msk [tilespmem:v1+s0+$0x10 ss:$0x1], $0xffff;
	[tilespmem:v0+s27+$0x30 ss:$0x1] =	vst.idx.msk $0xffff, v4  }
.Ltmp8:
0x80: {  	v3 =	vld.idx.msk [tilespmem:v1+s0+$0x20 ss:$0x1], $0xffff;
	[tilespmem:v0+s27+$0x40 ss:$0x1] =	vst.idx.msk $0xffff, v5;
	(pc) =	sbr.rel @p1 .LBB1_9-.Ltmp8, $4  }
0x81: {  	v4 =	vld.idx.msk [tilespmem:v1+s0+$0x30 ss:$0x1], $0xffff;
	[tilespmem:v0+s27+$0x50 ss:$0x1] =	vst.idx.msk $0xffff, v6  }
0x82: {  	v5 =	vld.idx.msk [tilespmem:v1+s0+$0x40 ss:$0x1], $0xffff;
	[tilespmem:v0+s27+$0x60 ss:$0x1] =	vst.idx.msk $0xffff, v7;
	s27 =	sadd.s32 $0x4000, s27  }
0x83: {  	s9 =	sadd.s32 $0x80, s9;
	v6 =	vld.idx.msk [tilespmem:v1+s0+$0x50 ss:$0x1], $0xffff;
	[tilespmem:v0+s27+$0x70 ss:$0x1] =	vst.idx.msk $0xffff, v8  }
0x84: {  	s5 =	sadd.s32 $0xFFFFFFFF, s5;
	[tilespmem:v0+s27+$0x0 ss:$0x1] =	vst.idx.msk $0xffff, v9;
	v7 =	vld.idx.msk [tilespmem:v1+s0+$0x60 ss:$0x1], $0xffff;
	s0 =	sand.u32 $0x180, s9  }
0x85: {  	s4 =	smov.u32 s0  }
.LBB1_11:
0x86: {  	_ =	sdelay $0x3  }
0x87: {  	[tilespmem:v0+s27+$0x10 ss:$0x1] =	vst.idx.msk @p0 $0xffff, v2  }
0x88: {  	v56 =	vld.idx.msk [tilespmem:v1+s4+$0x70 ss:$0x1], $0xffff;
	[tilespmem:v0+s27+$0x20 ss:$0x1] =	vst.idx.msk @p0 $0xffff, v3  }
0x89: {  	v57 =	vld.idx.msk [tilespmem:v1+s4+$0x0 ss:$0x1], $0xffff;
	[tilespmem:v0+s27+$0x30 ss:$0x1] =	vst.idx.msk @p0 $0xffff, v4  }
0x8a: {  	v58 =	vld.idx.msk [tilespmem:v1+s4+$0x10 ss:$0x1], $0xffff;
	[tilespmem:v0+s27+$0x40 ss:$0x1] =	vst.idx.msk @p0 $0xffff, v5  }
0x8b: {  	v59 =	vld.idx.msk [tilespmem:v1+s4+$0x20 ss:$0x1], $0xffff;
	s0 =	sadd.s32 @p0 $0x4000, s27;
	s5 =	smov.u32 s3;
	[tilespmem:v0+s27+$0x50 ss:$0x1] =	vst.idx.msk @p0 $0xffff, v6  }
0x8c: {  	v60 =	vld.idx.msk [tilespmem:v1+s4+$0x30 ss:$0x1], $0xffff;
	s5 =	smov.u32 @p0 s0;
	[tilespmem:v0+s27+$0x60 ss:$0x1] =	vst.idx.msk @p0 $0xffff, v7  }
0x8d: {  	v61 =	vld.idx.msk [tilespmem:v1+s4+$0x40 ss:$0x1], $0xffff;
	[tilespmem:v0+s5+$0x70 ss:$0x1] =	vst.idx.msk $0xffff, v56  }
0x8e: {  	v62 =	vld.idx.msk [tilespmem:v1+s4+$0x50 ss:$0x1], $0xffff;
	s31 =	sadd.s32 $0x1, s31;
	[tilespmem:v0+s5+$0x0 ss:$0x1] =	vst.idx.msk $0xffff, v57  }
0x8f: {  	v63 =	vld.idx.msk [tilespmem:v1+s4+$0x60 ss:$0x1], $0xffff;
	p0 =	sne.s32 s31, s25;
	[tilespmem:v0+s5+$0x10 ss:$0x1] =	vst.idx.msk $0xffff, v58  }
.Ltmp9:
0x90: {  	[tilespmem:v0+s5+$0x20 ss:$0x1] =	vst.idx.msk $0xffff, v59;
	(pc) =	sbr.rel @p0 .LBB1_5-.Ltmp9, $4  }
.Ltmp10:
0x91: {  	[tilespmem:v0+s5+$0x30 ss:$0x1] =	vst.idx.msk $0xffff, v60;
	(pc) =	sbr.rel @!p0 .LBB1_12-.Ltmp10, $4  }
0x92: {  	[tilespmem:v0+s5+$0x40 ss:$0x1] =	vst.idx.msk $0xffff, v61  }
0x93: {  	[tilespmem:v0+s5+$0x50 ss:$0x1] =	vst.idx.msk $0xffff, v62  }
0x94: {  	s30 =	sadd.s32 $0x80, s30;
	[tilespmem:v0+s5+$0x60 ss:$0x1] =	vst.idx.msk $0xffff, v63  }
0x95: {  	_ = 	snop  }
.LBB1_6:
.Ltmp11:
0x96: {  	(pc) =	sbr.rel .LBB1_11-.Ltmp11, $2  }
0x97: {  	_ =	sdelay $0x2  }
0x98: {  	s27 =	smov.u32 s3  }
.LBB1_8:
.Ltmp12:
0x99: {  	(pc) =	sbr.rel .LBB1_11-.Ltmp12, $2  }
0x9a: {  	_ =	sdelay $0x2  }
0x9b: {  	s4 =	smov.u32 s0;
	s27 =	smov.u32 s3  }
.LBB1_15:
0x9c: {  	_ =	sfence.sel $0x180000  }
0x9d: {  	s0 =	simm.s32 $0x1;
	[bflag:$0x0] =	sbarrier.arrive $0xFFFF  }
0x9e: {  	s30 =	simm.s32 $0x2;
	[sflag:s0] =	ssyncpa.u1 $0x1  }
0x9f: {  	[sflag:s30] =	ssyncpa.u1 $0x1  }
0xa0: {  	_ =	strace $0x90000050  }
0xa1: {  	s31 =	stileid.u32;
	[bflag:$0x2] =	sbarrier.arrive $0xFFFF  }
0xa2: {  	p0 =	sne.s32 s31, $0x0;
	s0 =	rddreg [dreg:$0x2]  }
0xa3: {  	s0 =	sadd.s32 @!p0 $0x100000, s0  }
0xa4: {  	[sflag:s0] =	ssyncadd.tile.s32 @!p0 $0x1;
	_ =	shalt  }
.Lfunc_end1:
_tile_overlayer_lowered:
.L_overlay_start_2:
0xa5: {  	(tag) =	ssettag $0x2  }
0xa6: {  	s0 =	rddreg [dreg:$0x0];
	s2 =	stileid.u32  }
0xa7: {  	s1 =	rddreg [dreg:$0x1];
	p0 =	sne.s32 s2, $0x0  }
0xa8: {  	s3 =	rddreg [dreg:$0x2];
	[bflag:$0x3] =	sbarrier.arrive $0xFFFF;
	s2 =	simm.s32 @!p0 $0x1C01  }
0xa9: {  	[timem:s3], [sflag:s2] =	dma.local @!p0 [hbm:s0], s1  }
0xaa: {  	s0 =	simm.s32 @!p0 $0x1  }
0xab: {  	_ =	swait.ge @!p0 [sflag:s0], s1  }
0xac: {  	s1 =	ssub.s32 @!p0 $0x0, s1;
	[sflag:s0] =	ssyncset.done @!p0 $0x0  }
0xad: {  	[sflag:s0] =	ssyncadd.s32 @!p0 s1  }
0xae: {  	[bflag:$0x3] =	sbarrier.arrive $0xFFFF  }
0xaf: {  	_ =	shalt  }

</sc_bundles>
